<compile_context>
chip_gen: v7x
topology: tpu7x:2x2x1
jax: 0.10.2.dev20260603
libtpu: 0.0.44.dev20260713+nightly
codegen_flags: <defaults>
</compile_context>

<pallas_src>
import functools

import jax
import jax.numpy as jnp
from jax import lax
from jax.experimental import pallas as pl
from jax.experimental.pallas import tpu as pltpu
from jax.experimental.pallas import tpu_sc as plsc

_MAX_NORM = 1.0
_EPS = 1e-7

_NC = 2
_NS = 16
_NW = _NC * _NS

_CHUNK = 32
_K = 4


def _renorm_body(w_ref, o_ref, hi_ref, lo_ref):
    w = w_ref[...]
    norms = jnp.sqrt(jnp.sum(w * w, axis=1, keepdims=True))
    scale = jnp.where(norms > _MAX_NORM, _MAX_NORM / (norms + _EPS), 1.0)
    wn = w * scale
    o_ref[...] = wn
    hi = wn.astype(jnp.bfloat16)
    hi_ref[...] = hi
    lo_ref[...] = (wn - hi.astype(jnp.float32)).astype(jnp.bfloat16)


def _renorm_table(W):
    return pl.pallas_call(
        _renorm_body,
        out_shape=[
            jax.ShapeDtypeStruct(W.shape, jnp.float32),
            jax.ShapeDtypeStruct(W.shape, jnp.bfloat16),
            jax.ShapeDtypeStruct(W.shape, jnp.bfloat16),
        ],
    )(W)


def _sc_gather(table, idx_flat, B, D):
    b_per_w = B // _NW
    nchunks = b_per_w // _CHUNK
    mesh = plsc.VectorSubcoreMesh(core_axis_name="c", subcore_axis_name="s")

    ngroups = nchunks // (2 * _K)

    row_buf = pltpu.VMEM((_CHUNK, D), jnp.float32)

    @functools.partial(
        pl.kernel,
        mesh=mesh,
        out_type=jax.ShapeDtypeStruct((B, D), jnp.float32),
        scratch_types=(
            [pltpu.VMEM((b_per_w,), jnp.int32)]
            + [row_buf] * (2 * _K)
            + [pltpu.SemaphoreType.DMA] * (4 * _K)
        ),
    )
    def k(table_hbm, idx_hbm, out_hbm, idx_v, *bufs_and_sems):
        bufs_a = bufs_and_sems[:_K]
        bufs_b = bufs_and_sems[_K:2 * _K]
        gsem_a = bufs_and_sems[2 * _K:3 * _K]
        gsem_b = bufs_and_sems[3 * _K:4 * _K]
        wsem_a = bufs_and_sems[4 * _K:5 * _K]
        wsem_b = bufs_and_sems[5 * _K:6 * _K]

        wid = lax.axis_index("s") * _NC + lax.axis_index("c")
        base = wid * b_per_w
        pltpu.sync_copy(idx_hbm.at[pl.ds(base, b_per_w)], idx_v)

        def start_gather(c, buf, sem):
            pltpu.async_copy(
                table_hbm.at[idx_v.at[pl.ds(c * _CHUNK, _CHUNK)]], buf, sem
            )

        def wait_gather(buf, sem):
            pltpu.make_async_copy(
                table_hbm.at[idx_v.at[pl.ds(0, _CHUNK)]], buf, sem
            ).wait()

        def start_write(c, buf, sem):
            pltpu.make_async_copy(
                buf, out_hbm.at[pl.ds(base + c * _CHUNK, _CHUNK)], sem
            ).start()

        def wait_write(c, buf, sem):
            pltpu.make_async_copy(
                buf, out_hbm.at[pl.ds(base + c * _CHUNK, _CHUNK)], sem
            ).wait()

        for b in range(_K):
            start_gather(b, bufs_a[b], gsem_a[b])

        @pl.loop(0, ngroups)
        def _(p):
            base_a = 2 * _K * p
            base_b = base_a + _K

            for b in range(_K):
                wait_gather(bufs_a[b], gsem_a[b])
            for b in range(_K):
                @pl.when(p > 0)
                def _():
                    wait_write(base_b + b, bufs_b[b], wsem_b[b])
                start_gather(base_b + b, bufs_b[b], gsem_b[b])
            for b in range(_K):
                start_write(base_a + b, bufs_a[b], wsem_a[b])

            for b in range(_K):
                wait_gather(bufs_b[b], gsem_b[b])
            for b in range(_K):
                wait_write(base_a + b, bufs_a[b], wsem_a[b])

                @pl.when(p < ngroups - 1)
                def _():
                    start_gather(base_a + 2 * _K + b, bufs_a[b], gsem_a[b])

            for b in range(_K):
                start_write(base_b + b, bufs_b[b], wsem_b[b])

        for b in range(_K):
            wait_write((2 * ngroups - 1) * _K + b, bufs_b[b], wsem_b[b])

    return k(table, idx_flat)


_BLK = 8192


def _tc_body(idx_ref, hi_ref, lo_ref, o_ref):
    idx = idx_ref[0, 0, :]
    onehot = (idx[:, None] == lax.broadcasted_iota(jnp.int32, (1, 32), 1)
              ).astype(jnp.bfloat16)
    o_ref[...] = (
        jnp.dot(onehot, hi_ref[...], preferred_element_type=jnp.float32)
        + jnp.dot(onehot, lo_ref[...], preferred_element_type=jnp.float32)
    )


def _tc_gather(hi, lo, idx_flat, N, D, tc_n=None):
    tc_n = N if tc_n is None else tc_n
    nblk = tc_n // _BLK
    idx3 = idx_flat.reshape((nblk, 1, _BLK))
    return pl.pallas_call(
        _tc_body,
        grid=(nblk,),
        in_specs=[
            pl.BlockSpec((1, 1, _BLK), lambda i: (i, 0, 0)),
            pl.BlockSpec((32, D), lambda i: (0, 0)),
            pl.BlockSpec((32, D), lambda i: (0, 0)),
        ],
        out_specs=pl.BlockSpec((_BLK, D), lambda i: (i, 0)),
        out_shape=jax.ShapeDtypeStruct((N, D), jnp.float32),
        compiler_params=pltpu.CompilerParams(
            dimension_semantics=("parallel",),
        ),
    )(idx3, hi, lo)


_SC_N = 65536


def kernel(src, W):
    B = src.shape[0] * src.shape[1]
    D = W.shape[1]
    W32 = jnp.pad(W, ((0, 32 - W.shape[0]), (0, 0)))
    wn, hi, lo = _renorm_table(W32)
    idx_flat = src.reshape((B,))
    tc_n = B - _SC_N
    tc_out = _tc_gather(hi, lo, idx_flat[:tc_n], B, D, tc_n)
    sc_out = _sc_gather(wn, idx_flat[tc_n:], _SC_N, D)
    out = lax.dynamic_update_slice(tc_out, sc_out, (tc_n, 0))
    return out.reshape(src.shape + (D,))

# --- scband reference (transcript-rebuilt; emitter-appended) ---
"""Pipeline reference for scband-my-model-61933428410231 (READ-ONLY COPY).

The authoritative reference and input builder live on the scoring server;
editing this copy changes nothing except your own understanding.
"""

import jax, jax.numpy as jnp
import numpy as np

MAX_NORM = 1.0
EPS = 1e-7


def setup_inputs(seed: int = 0) -> dict:
    key = jax.random.key(seed)
    k1, k2 = jax.random.split(key)
    src = jax.random.randint(k1, (4096, 200), 0, 22, dtype=jnp.int32)
    # nn.Embedding default init: N(0, 1)
    W = jax.random.normal(k2, (22, 256), dtype=jnp.float32)
    return {"src": src, "W": W}


def reference(src, W):
    # torch nn.Embedding with max_norm=1.0: rows referenced by src are
    # renormalized (L2, norm_type=2 default) to max_norm if their norm
    # exceeds it, then gathered. Functionally equivalent for the forward
    # output: gather rows, scale rows whose norm > max_norm.
    gathered = jnp.take(W, src, axis=0)  # [B, L, 256]
    norms = jnp.linalg.norm(gathered, axis=-1, keepdims=True)
    scale = jnp.where(norms > MAX_NORM, MAX_NORM / (norms + EPS), 1.0)
    return gathered * scale

if __name__ == "__main__":
    import jax
    _d = setup_inputs()
    print(jax.jit(kernel)(*tuple(_d.values())))

</pallas_src>

<mosaic_0001>
#map = affine_map<(d0, d1) -> (0, 0)>
#map1 = affine_map<(d0, d1) -> (0)>
module attributes {stable_mosaic.version = 14 : i64} {
  func.func @k(%arg0: i32, %arg1: i32, %arg2: memref<32x256xf32, #tpu.memory_space<hbm>>, %arg3: memref<65536xi32, #tpu.memory_space<hbm>>, %arg4: memref<65536x256xf32, #tpu.memory_space<hbm>>, %arg5: memref<2048xi32, #tpu.memory_space<vmem>>, %arg6: memref<32x256xf32, #tpu.memory_space<vmem>>, %arg7: memref<32x256xf32, #tpu.memory_space<vmem>>, %arg8: memref<32x256xf32, #tpu.memory_space<vmem>>, %arg9: memref<32x256xf32, #tpu.memory_space<vmem>>, %arg10: memref<32x256xf32, #tpu.memory_space<vmem>>, %arg11: memref<32x256xf32, #tpu.memory_space<vmem>>, %arg12: memref<32x256xf32, #tpu.memory_space<vmem>>, %arg13: memref<32x256xf32, #tpu.memory_space<vmem>>, %arg14: memref<!tpu.dma_semaphore, #tpu.memory_space<semaphore_mem>>, %arg15: memref<!tpu.dma_semaphore, #tpu.memory_space<semaphore_mem>>, %arg16: memref<!tpu.dma_semaphore, #tpu.memory_space<semaphore_mem>>, %arg17: memref<!tpu.dma_semaphore, #tpu.memory_space<semaphore_mem>>, %arg18: memref<!tpu.dma_semaphore, #tpu.memory_space<semaphore_mem>>, %arg19: memref<!tpu.dma_semaphore, #tpu.memory_space<semaphore_mem>>, %arg20: memref<!tpu.dma_semaphore, #tpu.memory_space<semaphore_mem>>, %arg21: memref<!tpu.dma_semaphore, #tpu.memory_space<semaphore_mem>>, %arg22: memref<!tpu.dma_semaphore, #tpu.memory_space<semaphore_mem>>, %arg23: memref<!tpu.dma_semaphore, #tpu.memory_space<semaphore_mem>>, %arg24: memref<!tpu.dma_semaphore, #tpu.memory_space<semaphore_mem>>, %arg25: memref<!tpu.dma_semaphore, #tpu.memory_space<semaphore_mem>>, %arg26: memref<!tpu.dma_semaphore, #tpu.memory_space<semaphore_mem>>, %arg27: memref<!tpu.dma_semaphore, #tpu.memory_space<semaphore_mem>>, %arg28: memref<!tpu.dma_semaphore, #tpu.memory_space<semaphore_mem>>, %arg29: memref<!tpu.dma_semaphore, #tpu.memory_space<semaphore_mem>>) attributes {dimension_semantics = [#tpu.dimension_semantics<core_parallel>, #tpu.dimension_semantics<subcore_parallel>], iteration_bounds = array<i64: 2, 16>, scalar_prefetch = 0 : i64, scratch_operands = 25 : i64, tpu.core_type = #tpu.core_type<sc_vector_subcore>, window_params = [{transform_indices = #map}, {transform_indices = #map1}, {transform_indices = #map}]} {
    %mul3A = arith.constant 2 : i32
    %mul3A_0 = arith.muli %arg1, %mul3A : i32
    %add3A = arith.addi %mul3A_0, %arg0 : i32
    %mul3A_1 = arith.constant 2048 : i32
    %mul3A_2 = arith.muli %add3A, %mul3A_1 : i32
    "tpu.region"() ({
      %run_scoped3A = tpu.sem_alloc : memref<!tpu.dma_semaphore, #tpu.memory_space<semaphore_mem>>
      %dma_start3A_49 = tpu.memref_slice %arg3[%mul3A_2] : memref<65536xi32, #tpu.memory_space<hbm>> -> memref<2048xi32, #tpu.memory_space<hbm>>
      %dma_start3A_50 = tpu.memref_slice %arg3[%mul3A_2] : memref<65536xi32, #tpu.memory_space<hbm>> -> memref<2048xi32, #tpu.memory_space<hbm>>
      tpu.enqueue_dma source(%dma_start3A_50 : memref<2048xi32, #tpu.memory_space<hbm>>) target(%arg5 : memref<2048xi32, #tpu.memory_space<vmem>>) target_semaphore(%run_scoped3A : memref<!tpu.dma_semaphore, #tpu.memory_space<semaphore_mem>>)
      %dma_wait3A_51 = tpu.memref_slice %arg3[%mul3A_2] : memref<65536xi32, #tpu.memory_space<hbm>> -> memref<2048xi32, #tpu.memory_space<hbm>>
      %dma_wait3A_52 = tpu.memref_slice %arg3[%mul3A_2] : memref<65536xi32, #tpu.memory_space<hbm>> -> memref<2048xi32, #tpu.memory_space<hbm>>
      tpu.wait_dma2 semaphore(%run_scoped3A : memref<!tpu.dma_semaphore, #tpu.memory_space<semaphore_mem>>) src(%dma_wait3A_52 : memref<2048xi32, #tpu.memory_space<hbm>>) dst(%arg5 : memref<2048xi32, #tpu.memory_space<vmem>>)
      tpu.yield
    }) : () -> ()
    %dma_start3A = arith.constant 0 : i32
    %dma_start3A_3 = tpu.memref_slice %arg5[%dma_start3A] : memref<2048xi32, #tpu.memory_space<vmem>> -> memref<32xi32, #tpu.memory_space<vmem>>
    %dma_start3A_4 = arith.constant 0 : i32
    %dma_start3A_5 = arith.constant 0 : i32
    %dma_start3A_6 = tpu.memref_slice %arg2[%dma_start3A_4, %dma_start3A_5] : memref<32x256xf32, #tpu.memory_space<hbm>> -> memref<32x256xf32, #tpu.memory_space<hbm>>
    tpu.enqueue_indirect_dma source(%dma_start3A_6 : memref<32x256xf32, #tpu.memory_space<hbm>>) target(%arg6 : memref<32x256xf32, #tpu.memory_space<vmem>>) offsets(%dma_start3A_3 : memref<32xi32, #tpu.memory_space<vmem>>) semaphore(%arg14 : memref<!tpu.dma_semaphore, #tpu.memory_space<semaphore_mem>>)
    %dma_start3A_7 = arith.constant 32 : i32
    %dma_start3A_8 = tpu.memref_slice %arg5[%dma_start3A_7] : memref<2048xi32, #tpu.memory_space<vmem>> -> memref<32xi32, #tpu.memory_space<vmem>>
    %dma_start3A_9 = arith.constant 0 : i32
    %dma_start3A_10 = arith.constant 0 : i32
    %dma_start3A_11 = tpu.memref_slice %arg2[%dma_start3A_9, %dma_start3A_10] : memref<32x256xf32, #tpu.memory_space<hbm>> -> memref<32x256xf32, #tpu.memory_space<hbm>>
    tpu.enqueue_indirect_dma source(%dma_start3A_11 : memref<32x256xf32, #tpu.memory_space<hbm>>) target(%arg7 : memref<32x256xf32, #tpu.memory_space<vmem>>) offsets(%dma_start3A_8 : memref<32xi32, #tpu.memory_space<vmem>>) semaphore(%arg15 : memref<!tpu.dma_semaphore, #tpu.memory_space<semaphore_mem>>)
    %dma_start3A_12 = arith.constant 64 : i32
    %dma_start3A_13 = tpu.memref_slice %arg5[%dma_start3A_12] : memref<2048xi32, #tpu.memory_space<vmem>> -> memref<32xi32, #tpu.memory_space<vmem>>
    %dma_start3A_14 = arith.constant 0 : i32
    %dma_start3A_15 = arith.constant 0 : i32
    %dma_start3A_16 = tpu.memref_slice %arg2[%dma_start3A_14, %dma_start3A_15] : memref<32x256xf32, #tpu.memory_space<hbm>> -> memref<32x256xf32, #tpu.memory_space<hbm>>
    tpu.enqueue_indirect_dma source(%dma_start3A_16 : memref<32x256xf32, #tpu.memory_space<hbm>>) target(%arg8 : memref<32x256xf32, #tpu.memory_space<vmem>>) offsets(%dma_start3A_13 : memref<32xi32, #tpu.memory_space<vmem>>) semaphore(%arg16 : memref<!tpu.dma_semaphore, #tpu.memory_space<semaphore_mem>>)
    %dma_start3A_17 = arith.constant 96 : i32
    %dma_start3A_18 = tpu.memref_slice %arg5[%dma_start3A_17] : memref<2048xi32, #tpu.memory_space<vmem>> -> memref<32xi32, #tpu.memory_space<vmem>>
    %dma_start3A_19 = arith.constant 0 : i32
    %dma_start3A_20 = arith.constant 0 : i32
    %dma_start3A_21 = tpu.memref_slice %arg2[%dma_start3A_19, %dma_start3A_20] : memref<32x256xf32, #tpu.memory_space<hbm>> -> memref<32x256xf32, #tpu.memory_space<hbm>>
    tpu.enqueue_indirect_dma source(%dma_start3A_21 : memref<32x256xf32, #tpu.memory_space<hbm>>) target(%arg9 : memref<32x256xf32, #tpu.memory_space<vmem>>) offsets(%dma_start3A_18 : memref<32xi32, #tpu.memory_space<vmem>>) semaphore(%arg17 : memref<!tpu.dma_semaphore, #tpu.memory_space<semaphore_mem>>)
    %scan3A = arith.constant 0 : i32
    %scan3A_22 = arith.constant 8 : i32
    %scan3A_23 = arith.addi %scan3A, %scan3A_22 : i32
    %scan3A_24 = arith.constant 1 : i32
    scf.for %scan3A_49 = %scan3A to %scan3A_23 step %scan3A_24  : i32 {
      %mul3A_50 = arith.constant 1 : i32
      %mul3A_51 = arith.muli %scan3A_49, %mul3A_50 : i32
      %add3A_52 = arith.constant 0 : i32
      %add3A_53 = arith.addi %add3A_52, %mul3A_51 : i32
      %mul3A_54 = arith.constant 8 : i32
      %mul3A_55 = arith.muli %mul3A_54, %add3A_53 : i32
      %add3A_56 = arith.constant 4 : i32
      %add3A_57 = arith.addi %mul3A_55, %add3A_56 : i32
      %dma_wait3A_58 = arith.constant 0 : i32
      %dma_wait3A_59 = tpu.memref_slice %arg5[%dma_wait3A_58] : memref<2048xi32, #tpu.memory_space<vmem>> -> memref<32xi32, #tpu.memory_space<vmem>>
      %dma_wait3A_60 = arith.constant 0 : i32
      %dma_wait3A_61 = arith.constant 0 : i32
      %dma_wait3A_62 = tpu.memref_slice %arg2[%dma_wait3A_60, %dma_wait3A_61] : memref<32x256xf32, #tpu.memory_space<hbm>> -> memref<32x256xf32, #tpu.memory_space<hbm>>
      tpu.wait_indirect_dma semaphore(%arg14 : memref<!tpu.dma_semaphore, #tpu.memory_space<semaphore_mem>>) src(%dma_wait3A_62 : memref<32x256xf32, #tpu.memory_space<hbm>>) dst(%arg6 : memref<32x256xf32, #tpu.memory_space<vmem>>)
      %dma_wait3A_63 = arith.constant 0 : i32
      %dma_wait3A_64 = tpu.memref_slice %arg5[%dma_wait3A_63] : memref<2048xi32, #tpu.memory_space<vmem>> -> memref<32xi32, #tpu.memory_space<vmem>>
      %dma_wait3A_65 = arith.constant 0 : i32
      %dma_wait3A_66 = arith.constant 0 : i32
      %dma_wait3A_67 = tpu.memref_slice %arg2[%dma_wait3A_65, %dma_wait3A_66] : memref<32x256xf32, #tpu.memory_space<hbm>> -> memref<32x256xf32, #tpu.memory_space<hbm>>
      tpu.wait_indirect_dma semaphore(%arg15 : memref<!tpu.dma_semaphore, #tpu.memory_space<semaphore_mem>>) src(%dma_wait3A_67 : memref<32x256xf32, #tpu.memory_space<hbm>>) dst(%arg7 : memref<32x256xf32, #tpu.memory_space<vmem>>)
      %dma_wait3A_68 = arith.constant 0 : i32
      %dma_wait3A_69 = tpu.memref_slice %arg5[%dma_wait3A_68] : memref<2048xi32, #tpu.memory_space<vmem>> -> memref<32xi32, #tpu.memory_space<vmem>>
      %dma_wait3A_70 = arith.constant 0 : i32
      %dma_wait3A_71 = arith.constant 0 : i32
      %dma_wait3A_72 = tpu.memref_slice %arg2[%dma_wait3A_70, %dma_wait3A_71] : memref<32x256xf32, #tpu.memory_space<hbm>> -> memref<32x256xf32, #tpu.memory_space<hbm>>
      tpu.wait_indirect_dma semaphore(%arg16 : memref<!tpu.dma_semaphore, #tpu.memory_space<semaphore_mem>>) src(%dma_wait3A_72 : memref<32x256xf32, #tpu.memory_space<hbm>>) dst(%arg8 : memref<32x256xf32, #tpu.memory_space<vmem>>)
      %dma_wait3A_73 = arith.constant 0 : i32
      %dma_wait3A_74 = tpu.memref_slice %arg5[%dma_wait3A_73] : memref<2048xi32, #tpu.memory_space<vmem>> -> memref<32xi32, #tpu.memory_space<vmem>>
      %dma_wait3A_75 = arith.constant 0 : i32
      %dma_wait3A_76 = arith.constant 0 : i32
      %dma_wait3A_77 = tpu.memref_slice %arg2[%dma_wait3A_75, %dma_wait3A_76] : memref<32x256xf32, #tpu.memory_space<hbm>> -> memref<32x256xf32, #tpu.memory_space<hbm>>
      tpu.wait_indirect_dma semaphore(%arg17 : memref<!tpu.dma_semaphore, #tpu.memory_space<semaphore_mem>>) src(%dma_wait3A_77 : memref<32x256xf32, #tpu.memory_space<hbm>>) dst(%arg9 : memref<32x256xf32, #tpu.memory_space<vmem>>)
      %gt3A = arith.constant 0 : i32
      %gt3A_78 = arith.cmpi sgt, %add3A_53, %gt3A : i32
      %convert_element_type3A = arith.extui %gt3A_78 : i1 to i32
      %cond3A = arith.constant 0 : i32
      %cond3A_79 = arith.cmpi ne, %convert_element_type3A, %cond3A : i32
      scf.if %cond3A_79 {
        %add3A_274 = arith.constant 0 : i32
        %add3A_275 = arith.addi %add3A_57, %add3A_274 : i32
        %mul3A_276 = arith.constant 32 : i32
        %mul3A_277 = arith.muli %add3A_275, %mul3A_276 : i32
        %add3A_278 = arith.addi %mul3A_2, %mul3A_277 : i32
        %dma_wait3A_279 = arith.constant 0 : i32
        %dma_wait3A_280 = tpu.memref_slice %arg4[%add3A_278, %dma_wait3A_279] : memref<65536x256xf32, #tpu.memory_space<hbm>> -> memref<32x256xf32, #tpu.memory_space<hbm>>
        %dma_wait3A_281 = arith.constant 0 : i32
        %dma_wait3A_282 = tpu.memref_slice %arg4[%add3A_278, %dma_wait3A_281] : memref<65536x256xf32, #tpu.memory_space<hbm>> -> memref<32x256xf32, #tpu.memory_space<hbm>>
        tpu.wait_dma2 semaphore(%arg26 : memref<!tpu.dma_semaphore, #tpu.memory_space<semaphore_mem>>) src(%arg10 : memref<32x256xf32, #tpu.memory_space<vmem>>) dst(%dma_wait3A_282 : memref<32x256xf32, #tpu.memory_space<hbm>>)
      } else {
      }
      %add3A_80 = arith.constant 0 : i32
      %add3A_81 = arith.addi %add3A_57, %add3A_80 : i32
      %mul3A_82 = arith.constant 32 : i32
      %mul3A_83 = arith.muli %add3A_81, %mul3A_82 : i32
      %dma_start3A_84 = tpu.memref_slice %arg5[%mul3A_83] : memref<2048xi32, #tpu.memory_space<vmem>> -> memref<32xi32, #tpu.memory_space<vmem>>
      %dma_start3A_85 = arith.constant 0 : i32
      %dma_start3A_86 = arith.constant 0 : i32
      %dma_start3A_87 = tpu.memref_slice %arg2[%dma_start3A_85, %dma_start3A_86] : memref<32x256xf32, #tpu.memory_space<hbm>> -> memref<32x256xf32, #tpu.memory_space<hbm>>
      tpu.enqueue_indirect_dma source(%dma_start3A_87 : memref<32x256xf32, #tpu.memory_space<hbm>>) target(%arg10 : memref<32x256xf32, #tpu.memory_space<vmem>>) offsets(%dma_start3A_84 : memref<32xi32, #tpu.memory_space<vmem>>) semaphore(%arg18 : memref<!tpu.dma_semaphore, #tpu.memory_space<semaphore_mem>>)
      %gt3A_88 = arith.constant 0 : i32
      %gt3A_89 = arith.cmpi sgt, %add3A_53, %gt3A_88 : i32
      %convert_element_type3A_90 = arith.extui %gt3A_89 : i1 to i32
      %cond3A_91 = arith.constant 0 : i32
      %cond3A_92 = arith.cmpi ne, %convert_element_type3A_90, %cond3A_91 : i32
      scf.if %cond3A_92 {
        %add3A_274 = arith.constant 1 : i32
        %add3A_275 = arith.addi %add3A_57, %add3A_274 : i32
        %mul3A_276 = arith.constant 32 : i32
        %mul3A_277 = arith.muli %add3A_275, %mul3A_276 : i32
        %add3A_278 = arith.addi %mul3A_2, %mul3A_277 : i32
        %dma_wait3A_279 = arith.constant 0 : i32
        %dma_wait3A_280 = tpu.memref_slice %arg4[%add3A_278, %dma_wait3A_279] : memref<65536x256xf32, #tpu.memory_space<hbm>> -> memref<32x256xf32, #tpu.memory_space<hbm>>
        %dma_wait3A_281 = arith.constant 0 : i32
        %dma_wait3A_282 = tpu.memref_slice %arg4[%add3A_278, %dma_wait3A_281] : memref<65536x256xf32, #tpu.memory_space<hbm>> -> memref<32x256xf32, #tpu.memory_space<hbm>>
        tpu.wait_dma2 semaphore(%arg27 : memref<!tpu.dma_semaphore, #tpu.memory_space<semaphore_mem>>) src(%arg11 : memref<32x256xf32, #tpu.memory_space<vmem>>) dst(%dma_wait3A_282 : memref<32x256xf32, #tpu.memory_space<hbm>>)
      } else {
      }
      %add3A_93 = arith.constant 1 : i32
      %add3A_94 = arith.addi %add3A_57, %add3A_93 : i32
      %mul3A_95 = arith.constant 32 : i32
      %mul3A_96 = arith.muli %add3A_94, %mul3A_95 : i32
      %dma_start3A_97 = tpu.memref_slice %arg5[%mul3A_96] : memref<2048xi32, #tpu.memory_space<vmem>> -> memref<32xi32, #tpu.memory_space<vmem>>
      %dma_start3A_98 = arith.constant 0 : i32
      %dma_start3A_99 = arith.constant 0 : i32
      %dma_start3A_100 = tpu.memref_slice %arg2[%dma_start3A_98, %dma_start3A_99] : memref<32x256xf32, #tpu.memory_space<hbm>> -> memref<32x256xf32, #tpu.memory_space<hbm>>
      tpu.enqueue_indirect_dma source(%dma_start3A_100 : memref<32x256xf32, #tpu.memory_space<hbm>>) target(%arg11 : memref<32x256xf32, #tpu.memory_space<vmem>>) offsets(%dma_start3A_97 : memref<32xi32, #tpu.memory_space<vmem>>) semaphore(%arg19 : memref<!tpu.dma_semaphore, #tpu.memory_space<semaphore_mem>>)
      %gt3A_101 = arith.constant 0 : i32
      %gt3A_102 = arith.cmpi sgt, %add3A_53, %gt3A_101 : i32
      %convert_element_type3A_103 = arith.extui %gt3A_102 : i1 to i32
      %cond3A_104 = arith.constant 0 : i32
      %cond3A_105 = arith.cmpi ne, %convert_element_type3A_103, %cond3A_104 : i32
      scf.if %cond3A_105 {
        %add3A_274 = arith.constant 2 : i32
        %add3A_275 = arith.addi %add3A_57, %add3A_274 : i32
        %mul3A_276 = arith.constant 32 : i32
        %mul3A_277 = arith.muli %add3A_275, %mul3A_276 : i32
        %add3A_278 = arith.addi %mul3A_2, %mul3A_277 : i32
        %dma_wait3A_279 = arith.constant 0 : i32
        %dma_wait3A_280 = tpu.memref_slice %arg4[%add3A_278, %dma_wait3A_279] : memref<65536x256xf32, #tpu.memory_space<hbm>> -> memref<32x256xf32, #tpu.memory_space<hbm>>
        %dma_wait3A_281 = arith.constant 0 : i32
        %dma_wait3A_282 = tpu.memref_slice %arg4[%add3A_278, %dma_wait3A_281] : memref<65536x256xf32, #tpu.memory_space<hbm>> -> memref<32x256xf32, #tpu.memory_space<hbm>>
        tpu.wait_dma2 semaphore(%arg28 : memref<!tpu.dma_semaphore, #tpu.memory_space<semaphore_mem>>) src(%arg12 : memref<32x256xf32, #tpu.memory_space<vmem>>) dst(%dma_wait3A_282 : memref<32x256xf32, #tpu.memory_space<hbm>>)
      } else {
      }
      %add3A_106 = arith.constant 2 : i32
      %add3A_107 = arith.addi %add3A_57, %add3A_106 : i32
      %mul3A_108 = arith.constant 32 : i32
      %mul3A_109 = arith.muli %add3A_107, %mul3A_108 : i32
      %dma_start3A_110 = tpu.memref_slice %arg5[%mul3A_109] : memref<2048xi32, #tpu.memory_space<vmem>> -> memref<32xi32, #tpu.memory_space<vmem>>
      %dma_start3A_111 = arith.constant 0 : i32
      %dma_start3A_112 = arith.constant 0 : i32
      %dma_start3A_113 = tpu.memref_slice %arg2[%dma_start3A_111, %dma_start3A_112] : memref<32x256xf32, #tpu.memory_space<hbm>> -> memref<32x256xf32, #tpu.memory_space<hbm>>
      tpu.enqueue_indirect_dma source(%dma_start3A_113 : memref<32x256xf32, #tpu.memory_space<hbm>>) target(%arg12 : memref<32x256xf32, #tpu.memory_space<vmem>>) offsets(%dma_start3A_110 : memref<32xi32, #tpu.memory_space<vmem>>) semaphore(%arg20 : memref<!tpu.dma_semaphore, #tpu.memory_space<semaphore_mem>>)
      %gt3A_114 = arith.constant 0 : i32
      %gt3A_115 = arith.cmpi sgt, %add3A_53, %gt3A_114 : i32
      %convert_element_type3A_116 = arith.extui %gt3A_115 : i1 to i32
      %cond3A_117 = arith.constant 0 : i32
      %cond3A_118 = arith.cmpi ne, %convert_element_type3A_116, %cond3A_117 : i32
      scf.if %cond3A_118 {
        %add3A_274 = arith.constant 3 : i32
        %add3A_275 = arith.addi %add3A_57, %add3A_274 : i32
        %mul3A_276 = arith.constant 32 : i32
        %mul3A_277 = arith.muli %add3A_275, %mul3A_276 : i32
        %add3A_278 = arith.addi %mul3A_2, %mul3A_277 : i32
        %dma_wait3A_279 = arith.constant 0 : i32
        %dma_wait3A_280 = tpu.memref_slice %arg4[%add3A_278, %dma_wait3A_279] : memref<65536x256xf32, #tpu.memory_space<hbm>> -> memref<32x256xf32, #tpu.memory_space<hbm>>
        %dma_wait3A_281 = arith.constant 0 : i32
        %dma_wait3A_282 = tpu.memref_slice %arg4[%add3A_278, %dma_wait3A_281] : memref<65536x256xf32, #tpu.memory_space<hbm>> -> memref<32x256xf32, #tpu.memory_space<hbm>>
        tpu.wait_dma2 semaphore(%arg29 : memref<!tpu.dma_semaphore, #tpu.memory_space<semaphore_mem>>) src(%arg13 : memref<32x256xf32, #tpu.memory_space<vmem>>) dst(%dma_wait3A_282 : memref<32x256xf32, #tpu.memory_space<hbm>>)
      } else {
      }
      %add3A_119 = arith.constant 3 : i32
      %add3A_120 = arith.addi %add3A_57, %add3A_119 : i32
      %mul3A_121 = arith.constant 32 : i32
      %mul3A_122 = arith.muli %add3A_120, %mul3A_121 : i32
      %dma_start3A_123 = tpu.memref_slice %arg5[%mul3A_122] : memref<2048xi32, #tpu.memory_space<vmem>> -> memref<32xi32, #tpu.memory_space<vmem>>
      %dma_start3A_124 = arith.constant 0 : i32
      %dma_start3A_125 = arith.constant 0 : i32
      %dma_start3A_126 = tpu.memref_slice %arg2[%dma_start3A_124, %dma_start3A_125] : memref<32x256xf32, #tpu.memory_space<hbm>> -> memref<32x256xf32, #tpu.memory_space<hbm>>
      tpu.enqueue_indirect_dma source(%dma_start3A_126 : memref<32x256xf32, #tpu.memory_space<hbm>>) target(%arg13 : memref<32x256xf32, #tpu.memory_space<vmem>>) offsets(%dma_start3A_123 : memref<32xi32, #tpu.memory_space<vmem>>) semaphore(%arg21 : memref<!tpu.dma_semaphore, #tpu.memory_space<semaphore_mem>>)
      %add3A_127 = arith.constant 0 : i32
      %add3A_128 = arith.addi %mul3A_55, %add3A_127 : i32
      %mul3A_129 = arith.constant 32 : i32
      %mul3A_130 = arith.muli %add3A_128, %mul3A_129 : i32
      %add3A_131 = arith.addi %mul3A_2, %mul3A_130 : i32
      %dma_start3A_132 = arith.constant 0 : i32
      %dma_start3A_133 = tpu.memref_slice %arg4[%add3A_131, %dma_start3A_132] : memref<65536x256xf32, #tpu.memory_space<hbm>> -> memref<32x256xf32, #tpu.memory_space<hbm>>
      %dma_start3A_134 = arith.constant 0 : i32
      %dma_start3A_135 = tpu.memref_slice %arg4[%add3A_131, %dma_start3A_134] : memref<65536x256xf32, #tpu.memory_space<hbm>> -> memref<32x256xf32, #tpu.memory_space<hbm>>
      tpu.enqueue_dma source(%arg6 : memref<32x256xf32, #tpu.memory_space<vmem>>) target(%dma_start3A_135 : memref<32x256xf32, #tpu.memory_space<hbm>>) target_semaphore(%arg22 : memref<!tpu.dma_semaphore, #tpu.memory_space<semaphore_mem>>)
      %add3A_136 = arith.constant 1 : i32
      %add3A_137 = arith.addi %mul3A_55, %add3A_136 : i32
      %mul3A_138 = arith.constant 32 : i32
      %mul3A_139 = arith.muli %add3A_137, %mul3A_138 : i32
      %add3A_140 = arith.addi %mul3A_2, %mul3A_139 : i32
      %dma_start3A_141 = arith.constant 0 : i32
      %dma_start3A_142 = tpu.memref_slice %arg4[%add3A_140, %dma_start3A_141] : memref<65536x256xf32, #tpu.memory_space<hbm>> -> memref<32x256xf32, #tpu.memory_space<hbm>>
      %dma_start3A_143 = arith.constant 0 : i32
      %dma_start3A_144 = tpu.memref_slice %arg4[%add3A_140, %dma_start3A_143] : memref<65536x256xf32, #tpu.memory_space<hbm>> -> memref<32x256xf32, #tpu.memory_space<hbm>>
      tpu.enqueue_dma source(%arg7 : memref<32x256xf32, #tpu.memory_space<vmem>>) target(%dma_start3A_144 : memref<32x256xf32, #tpu.memory_space<hbm>>) target_semaphore(%arg23 : memref<!tpu.dma_semaphore, #tpu.memory_space<semaphore_mem>>)
      %add3A_145 = arith.constant 2 : i32
      %add3A_146 = arith.addi %mul3A_55, %add3A_145 : i32
      %mul3A_147 = arith.constant 32 : i32
      %mul3A_148 = arith.muli %add3A_146, %mul3A_147 : i32
      %add3A_149 = arith.addi %mul3A_2, %mul3A_148 : i32
      %dma_start3A_150 = arith.constant 0 : i32
      %dma_start3A_151 = tpu.memref_slice %arg4[%add3A_149, %dma_start3A_150] : memref<65536x256xf32, #tpu.memory_space<hbm>> -> memref<32x256xf32, #tpu.memory_space<hbm>>
      %dma_start3A_152 = arith.constant 0 : i32
      %dma_start3A_153 = tpu.memref_slice %arg4[%add3A_149, %dma_start3A_152] : memref<65536x256xf32, #tpu.memory_space<hbm>> -> memref<32x256xf32, #tpu.memory_space<hbm>>
      tpu.enqueue_dma source(%arg8 : memref<32x256xf32, #tpu.memory_space<vmem>>) target(%dma_start3A_153 : memref<32x256xf32, #tpu.memory_space<hbm>>) target_semaphore(%arg24 : memref<!tpu.dma_semaphore, #tpu.memory_space<semaphore_mem>>)
      %add3A_154 = arith.constant 3 : i32
      %add3A_155 = arith.addi %mul3A_55, %add3A_154 : i32
      %mul3A_156 = arith.constant 32 : i32
      %mul3A_157 = arith.muli %add3A_155, %mul3A_156 : i32
      %add3A_158 = arith.addi %mul3A_2, %mul3A_157 : i32
      %dma_start3A_159 = arith.constant 0 : i32
      %dma_start3A_160 = tpu.memref_slice %arg4[%add3A_158, %dma_start3A_159] : memref<65536x256xf32, #tpu.memory_space<hbm>> -> memref<32x256xf32, #tpu.memory_space<hbm>>
      %dma_start3A_161 = arith.constant 0 : i32
      %dma_start3A_162 = tpu.memref_slice %arg4[%add3A_158, %dma_start3A_161] : memref<65536x256xf32, #tpu.memory_space<hbm>> -> memref<32x256xf32, #tpu.memory_space<hbm>>
      tpu.enqueue_dma source(%arg9 : memref<32x256xf32, #tpu.memory_space<vmem>>) target(%dma_start3A_162 : memref<32x256xf32, #tpu.memory_space<hbm>>) target_semaphore(%arg25 : memref<!tpu.dma_semaphore, #tpu.memory_space<semaphore_mem>>)
      %dma_wait3A_163 = arith.constant 0 : i32
      %dma_wait3A_164 = tpu.memref_slice %arg5[%dma_wait3A_163] : memref<2048xi32, #tpu.memory_space<vmem>> -> memref<32xi32, #tpu.memory_space<vmem>>
      %dma_wait3A_165 = arith.constant 0 : i32
      %dma_wait3A_166 = arith.constant 0 : i32
      %dma_wait3A_167 = tpu.memref_slice %arg2[%dma_wait3A_165, %dma_wait3A_166] : memref<32x256xf32, #tpu.memory_space<hbm>> -> memref<32x256xf32, #tpu.memory_space<hbm>>
      tpu.wait_indirect_dma semaphore(%arg18 : memref<!tpu.dma_semaphore, #tpu.memory_space<semaphore_mem>>) src(%dma_wait3A_167 : memref<32x256xf32, #tpu.memory_space<hbm>>) dst(%arg10 : memref<32x256xf32, #tpu.memory_space<vmem>>)
      %dma_wait3A_168 = arith.constant 0 : i32
      %dma_wait3A_169 = tpu.memref_slice %arg5[%dma_wait3A_168] : memref<2048xi32, #tpu.memory_space<vmem>> -> memref<32xi32, #tpu.memory_space<vmem>>
      %dma_wait3A_170 = arith.constant 0 : i32
      %dma_wait3A_171 = arith.constant 0 : i32
      %dma_wait3A_172 = tpu.memref_slice %arg2[%dma_wait3A_170, %dma_wait3A_171] : memref<32x256xf32, #tpu.memory_space<hbm>> -> memref<32x256xf32, #tpu.memory_space<hbm>>
      tpu.wait_indirect_dma semaphore(%arg19 : memref<!tpu.dma_semaphore, #tpu.memory_space<semaphore_mem>>) src(%dma_wait3A_172 : memref<32x256xf32, #tpu.memory_space<hbm>>) dst(%arg11 : memref<32x256xf32, #tpu.memory_space<vmem>>)
      %dma_wait3A_173 = arith.constant 0 : i32
      %dma_wait3A_174 = tpu.memref_slice %arg5[%dma_wait3A_173] : memref<2048xi32, #tpu.memory_space<vmem>> -> memref<32xi32, #tpu.memory_space<vmem>>
      %dma_wait3A_175 = arith.constant 0 : i32
      %dma_wait3A_176 = arith.constant 0 : i32
      %dma_wait3A_177 = tpu.memref_slice %arg2[%dma_wait3A_175, %dma_wait3A_176] : memref<32x256xf32, #tpu.memory_space<hbm>> -> memref<32x256xf32, #tpu.memory_space<hbm>>
      tpu.wait_indirect_dma semaphore(%arg20 : memref<!tpu.dma_semaphore, #tpu.memory_space<semaphore_mem>>) src(%dma_wait3A_177 : memref<32x256xf32, #tpu.memory_space<hbm>>) dst(%arg12 : memref<32x256xf32, #tpu.memory_space<vmem>>)
      %dma_wait3A_178 = arith.constant 0 : i32
      %dma_wait3A_179 = tpu.memref_slice %arg5[%dma_wait3A_178] : memref<2048xi32, #tpu.memory_space<vmem>> -> memref<32xi32, #tpu.memory_space<vmem>>
      %dma_wait3A_180 = arith.constant 0 : i32
      %dma_wait3A_181 = arith.constant 0 : i32
      %dma_wait3A_182 = tpu.memref_slice %arg2[%dma_wait3A_180, %dma_wait3A_181] : memref<32x256xf32, #tpu.memory_space<hbm>> -> memref<32x256xf32, #tpu.memory_space<hbm>>
      tpu.wait_indirect_dma semaphore(%arg21 : memref<!tpu.dma_semaphore, #tpu.memory_space<semaphore_mem>>) src(%dma_wait3A_182 : memref<32x256xf32, #tpu.memory_space<hbm>>) dst(%arg13 : memref<32x256xf32, #tpu.memory_space<vmem>>)
      %add3A_183 = arith.constant 0 : i32
      %add3A_184 = arith.addi %mul3A_55, %add3A_183 : i32
      %mul3A_185 = arith.constant 32 : i32
      %mul3A_186 = arith.muli %add3A_184, %mul3A_185 : i32
      %add3A_187 = arith.addi %mul3A_2, %mul3A_186 : i32
      %dma_wait3A_188 = arith.constant 0 : i32
      %dma_wait3A_189 = tpu.memref_slice %arg4[%add3A_187, %dma_wait3A_188] : memref<65536x256xf32, #tpu.memory_space<hbm>> -> memref<32x256xf32, #tpu.memory_space<hbm>>
      %dma_wait3A_190 = arith.constant 0 : i32
      %dma_wait3A_191 = tpu.memref_slice %arg4[%add3A_187, %dma_wait3A_190] : memref<65536x256xf32, #tpu.memory_space<hbm>> -> memref<32x256xf32, #tpu.memory_space<hbm>>
      tpu.wait_dma2 semaphore(%arg22 : memref<!tpu.dma_semaphore, #tpu.memory_space<semaphore_mem>>) src(%arg6 : memref<32x256xf32, #tpu.memory_space<vmem>>) dst(%dma_wait3A_191 : memref<32x256xf32, #tpu.memory_space<hbm>>)
      %lt3A = arith.constant 7 : i32
      %lt3A_192 = arith.cmpi slt, %add3A_53, %lt3A : i32
      %convert_element_type3A_193 = arith.extui %lt3A_192 : i1 to i32
      %cond3A_194 = arith.constant 0 : i32
      %cond3A_195 = arith.cmpi ne, %convert_element_type3A_193, %cond3A_194 : i32
      scf.if %cond3A_195 {
        %add3A_274 = arith.constant 8 : i32
        %add3A_275 = arith.addi %mul3A_55, %add3A_274 : i32
        %add3A_276 = arith.constant 0 : i32
        %add3A_277 = arith.addi %add3A_275, %add3A_276 : i32
        %mul3A_278 = arith.constant 32 : i32
        %mul3A_279 = arith.muli %add3A_277, %mul3A_278 : i32
        %dma_start3A_280 = tpu.memref_slice %arg5[%mul3A_279] : memref<2048xi32, #tpu.memory_space<vmem>> -> memref<32xi32, #tpu.memory_space<vmem>>
        %dma_start3A_281 = arith.constant 0 : i32
        %dma_start3A_282 = arith.constant 0 : i32
        %dma_start3A_283 = tpu.memref_slice %arg2[%dma_start3A_281, %dma_start3A_282] : memref<32x256xf32, #tpu.memory_space<hbm>> -> memref<32x256xf32, #tpu.memory_space<hbm>>
        tpu.enqueue_indirect_dma source(%dma_start3A_283 : memref<32x256xf32, #tpu.memory_space<hbm>>) target(%arg6 : memref<32x256xf32, #tpu.memory_space<vmem>>) offsets(%dma_start3A_280 : memref<32xi32, #tpu.memory_space<vmem>>) semaphore(%arg14 : memref<!tpu.dma_semaphore, #tpu.memory_space<semaphore_mem>>)
      } else {
      }
      %add3A_196 = arith.constant 1 : i32
      %add3A_197 = arith.addi %mul3A_55, %add3A_196 : i32
      %mul3A_198 = arith.constant 32 : i32
      %mul3A_199 = arith.muli %add3A_197, %mul3A_198 : i32
      %add3A_200 = arith.addi %mul3A_2, %mul3A_199 : i32
      %dma_wait3A_201 = arith.constant 0 : i32
      %dma_wait3A_202 = tpu.memref_slice %arg4[%add3A_200, %dma_wait3A_201] : memref<65536x256xf32, #tpu.memory_space<hbm>> -> memref<32x256xf32, #tpu.memory_space<hbm>>
      %dma_wait3A_203 = arith.constant 0 : i32
      %dma_wait3A_204 = tpu.memref_slice %arg4[%add3A_200, %dma_wait3A_203] : memref<65536x256xf32, #tpu.memory_space<hbm>> -> memref<32x256xf32, #tpu.memory_space<hbm>>
      tpu.wait_dma2 semaphore(%arg23 : memref<!tpu.dma_semaphore, #tpu.memory_space<semaphore_mem>>) src(%arg7 : memref<32x256xf32, #tpu.memory_space<vmem>>) dst(%dma_wait3A_204 : memref<32x256xf32, #tpu.memory_space<hbm>>)
      %lt3A_205 = arith.constant 7 : i32
      %lt3A_206 = arith.cmpi slt, %add3A_53, %lt3A_205 : i32
      %convert_element_type3A_207 = arith.extui %lt3A_206 : i1 to i32
      %cond3A_208 = arith.constant 0 : i32
      %cond3A_209 = arith.cmpi ne, %convert_element_type3A_207, %cond3A_208 : i32
      scf.if %cond3A_209 {
        %add3A_274 = arith.constant 8 : i32
        %add3A_275 = arith.addi %mul3A_55, %add3A_274 : i32
        %add3A_276 = arith.constant 1 : i32
        %add3A_277 = arith.addi %add3A_275, %add3A_276 : i32
        %mul3A_278 = arith.constant 32 : i32
        %mul3A_279 = arith.muli %add3A_277, %mul3A_278 : i32
        %dma_start3A_280 = tpu.memref_slice %arg5[%mul3A_279] : memref<2048xi32, #tpu.memory_space<vmem>> -> memref<32xi32, #tpu.memory_space<vmem>>
        %dma_start3A_281 = arith.constant 0 : i32
        %dma_start3A_282 = arith.constant 0 : i32
        %dma_start3A_283 = tpu.memref_slice %arg2[%dma_start3A_281, %dma_start3A_282] : memref<32x256xf32, #tpu.memory_space<hbm>> -> memref<32x256xf32, #tpu.memory_space<hbm>>
        tpu.enqueue_indirect_dma source(%dma_start3A_283 : memref<32x256xf32, #tpu.memory_space<hbm>>) target(%arg7 : memref<32x256xf32, #tpu.memory_space<vmem>>) offsets(%dma_start3A_280 : memref<32xi32, #tpu.memory_space<vmem>>) semaphore(%arg15 : memref<!tpu.dma_semaphore, #tpu.memory_space<semaphore_mem>>)
      } else {
      }
      %add3A_210 = arith.constant 2 : i32
      %add3A_211 = arith.addi %mul3A_55, %add3A_210 : i32
      %mul3A_212 = arith.constant 32 : i32
      %mul3A_213 = arith.muli %add3A_211, %mul3A_212 : i32
      %add3A_214 = arith.addi %mul3A_2, %mul3A_213 : i32
      %dma_wait3A_215 = arith.constant 0 : i32
      %dma_wait3A_216 = tpu.memref_slice %arg4[%add3A_214, %dma_wait3A_215] : memref<65536x256xf32, #tpu.memory_space<hbm>> -> memref<32x256xf32, #tpu.memory_space<hbm>>
      %dma_wait3A_217 = arith.constant 0 : i32
      %dma_wait3A_218 = tpu.memref_slice %arg4[%add3A_214, %dma_wait3A_217] : memref<65536x256xf32, #tpu.memory_space<hbm>> -> memref<32x256xf32, #tpu.memory_space<hbm>>
      tpu.wait_dma2 semaphore(%arg24 : memref<!tpu.dma_semaphore, #tpu.memory_space<semaphore_mem>>) src(%arg8 : memref<32x256xf32, #tpu.memory_space<vmem>>) dst(%dma_wait3A_218 : memref<32x256xf32, #tpu.memory_space<hbm>>)
      %lt3A_219 = arith.constant 7 : i32
      %lt3A_220 = arith.cmpi slt, %add3A_53, %lt3A_219 : i32
      %convert_element_type3A_221 = arith.extui %lt3A_220 : i1 to i32
      %cond3A_222 = arith.constant 0 : i32
      %cond3A_223 = arith.cmpi ne, %convert_element_type3A_221, %cond3A_222 : i32
      scf.if %cond3A_223 {
        %add3A_274 = arith.constant 8 : i32
        %add3A_275 = arith.addi %mul3A_55, %add3A_274 : i32
        %add3A_276 = arith.constant 2 : i32
        %add3A_277 = arith.addi %add3A_275, %add3A_276 : i32
        %mul3A_278 = arith.constant 32 : i32
        %mul3A_279 = arith.muli %add3A_277, %mul3A_278 : i32
        %dma_start3A_280 = tpu.memref_slice %arg5[%mul3A_279] : memref<2048xi32, #tpu.memory_space<vmem>> -> memref<32xi32, #tpu.memory_space<vmem>>
        %dma_start3A_281 = arith.constant 0 : i32
        %dma_start3A_282 = arith.constant 0 : i32
        %dma_start3A_283 = tpu.memref_slice %arg2[%dma_start3A_281, %dma_start3A_282] : memref<32x256xf32, #tpu.memory_space<hbm>> -> memref<32x256xf32, #tpu.memory_space<hbm>>
        tpu.enqueue_indirect_dma source(%dma_start3A_283 : memref<32x256xf32, #tpu.memory_space<hbm>>) target(%arg8 : memref<32x256xf32, #tpu.memory_space<vmem>>) offsets(%dma_start3A_280 : memref<32xi32, #tpu.memory_space<vmem>>) semaphore(%arg16 : memref<!tpu.dma_semaphore, #tpu.memory_space<semaphore_mem>>)
      } else {
      }
      %add3A_224 = arith.constant 3 : i32
      %add3A_225 = arith.addi %mul3A_55, %add3A_224 : i32
      %mul3A_226 = arith.constant 32 : i32
      %mul3A_227 = arith.muli %add3A_225, %mul3A_226 : i32
      %add3A_228 = arith.addi %mul3A_2, %mul3A_227 : i32
      %dma_wait3A_229 = arith.constant 0 : i32
      %dma_wait3A_230 = tpu.memref_slice %arg4[%add3A_228, %dma_wait3A_229] : memref<65536x256xf32, #tpu.memory_space<hbm>> -> memref<32x256xf32, #tpu.memory_space<hbm>>
      %dma_wait3A_231 = arith.constant 0 : i32
      %dma_wait3A_232 = tpu.memref_slice %arg4[%add3A_228, %dma_wait3A_231] : memref<65536x256xf32, #tpu.memory_space<hbm>> -> memref<32x256xf32, #tpu.memory_space<hbm>>
      tpu.wait_dma2 semaphore(%arg25 : memref<!tpu.dma_semaphore, #tpu.memory_space<semaphore_mem>>) src(%arg9 : memref<32x256xf32, #tpu.memory_space<vmem>>) dst(%dma_wait3A_232 : memref<32x256xf32, #tpu.memory_space<hbm>>)
      %lt3A_233 = arith.constant 7 : i32
      %lt3A_234 = arith.cmpi slt, %add3A_53, %lt3A_233 : i32
      %convert_element_type3A_235 = arith.extui %lt3A_234 : i1 to i32
      %cond3A_236 = arith.constant 0 : i32
      %cond3A_237 = arith.cmpi ne, %convert_element_type3A_235, %cond3A_236 : i32
      scf.if %cond3A_237 {
        %add3A_274 = arith.constant 8 : i32
        %add3A_275 = arith.addi %mul3A_55, %add3A_274 : i32
        %add3A_276 = arith.constant 3 : i32
        %add3A_277 = arith.addi %add3A_275, %add3A_276 : i32
        %mul3A_278 = arith.constant 32 : i32
        %mul3A_279 = arith.muli %add3A_277, %mul3A_278 : i32
        %dma_start3A_280 = tpu.memref_slice %arg5[%mul3A_279] : memref<2048xi32, #tpu.memory_space<vmem>> -> memref<32xi32, #tpu.memory_space<vmem>>
        %dma_start3A_281 = arith.constant 0 : i32
        %dma_start3A_282 = arith.constant 0 : i32
        %dma_start3A_283 = tpu.memref_slice %arg2[%dma_start3A_281, %dma_start3A_282] : memref<32x256xf32, #tpu.memory_space<hbm>> -> memref<32x256xf32, #tpu.memory_space<hbm>>
        tpu.enqueue_indirect_dma source(%dma_start3A_283 : memref<32x256xf32, #tpu.memory_space<hbm>>) target(%arg9 : memref<32x256xf32, #tpu.memory_space<vmem>>) offsets(%dma_start3A_280 : memref<32xi32, #tpu.memory_space<vmem>>) semaphore(%arg17 : memref<!tpu.dma_semaphore, #tpu.memory_space<semaphore_mem>>)
      } else {
      }
      %add3A_238 = arith.constant 0 : i32
      %add3A_239 = arith.addi %add3A_57, %add3A_238 : i32
      %mul3A_240 = arith.constant 32 : i32
      %mul3A_241 = arith.muli %add3A_239, %mul3A_240 : i32
      %add3A_242 = arith.addi %mul3A_2, %mul3A_241 : i32
      %dma_start3A_243 = arith.constant 0 : i32
      %dma_start3A_244 = tpu.memref_slice %arg4[%add3A_242, %dma_start3A_243] : memref<65536x256xf32, #tpu.memory_space<hbm>> -> memref<32x256xf32, #tpu.memory_space<hbm>>
      %dma_start3A_245 = arith.constant 0 : i32
      %dma_start3A_246 = tpu.memref_slice %arg4[%add3A_242, %dma_start3A_245] : memref<65536x256xf32, #tpu.memory_space<hbm>> -> memref<32x256xf32, #tpu.memory_space<hbm>>
      tpu.enqueue_dma source(%arg10 : memref<32x256xf32, #tpu.memory_space<vmem>>) target(%dma_start3A_246 : memref<32x256xf32, #tpu.memory_space<hbm>>) target_semaphore(%arg26 : memref<!tpu.dma_semaphore, #tpu.memory_space<semaphore_mem>>)
      %add3A_247 = arith.constant 1 : i32
      %add3A_248 = arith.addi %add3A_57, %add3A_247 : i32
      %mul3A_249 = arith.constant 32 : i32
      %mul3A_250 = arith.muli %add3A_248, %mul3A_249 : i32
      %add3A_251 = arith.addi %mul3A_2, %mul3A_250 : i32
      %dma_start3A_252 = arith.constant 0 : i32
      %dma_start3A_253 = tpu.memref_slice %arg4[%add3A_251, %dma_start3A_252] : memref<65536x256xf32, #tpu.memory_space<hbm>> -> memref<32x256xf32, #tpu.memory_space<hbm>>
      %dma_start3A_254 = arith.constant 0 : i32
      %dma_start3A_255 = tpu.memref_slice %arg4[%add3A_251, %dma_start3A_254] : memref<65536x256xf32, #tpu.memory_space<hbm>> -> memref<32x256xf32, #tpu.memory_space<hbm>>
      tpu.enqueue_dma source(%arg11 : memref<32x256xf32, #tpu.memory_space<vmem>>) target(%dma_start3A_255 : memref<32x256xf32, #tpu.memory_space<hbm>>) target_semaphore(%arg27 : memref<!tpu.dma_semaphore, #tpu.memory_space<semaphore_mem>>)
      %add3A_256 = arith.constant 2 : i32
      %add3A_257 = arith.addi %add3A_57, %add3A_256 : i32
      %mul3A_258 = arith.constant 32 : i32
      %mul3A_259 = arith.muli %add3A_257, %mul3A_258 : i32
      %add3A_260 = arith.addi %mul3A_2, %mul3A_259 : i32
      %dma_start3A_261 = arith.constant 0 : i32
      %dma_start3A_262 = tpu.memref_slice %arg4[%add3A_260, %dma_start3A_261] : memref<65536x256xf32, #tpu.memory_space<hbm>> -> memref<32x256xf32, #tpu.memory_space<hbm>>
      %dma_start3A_263 = arith.constant 0 : i32
      %dma_start3A_264 = tpu.memref_slice %arg4[%add3A_260, %dma_start3A_263] : memref<65536x256xf32, #tpu.memory_space<hbm>> -> memref<32x256xf32, #tpu.memory_space<hbm>>
      tpu.enqueue_dma source(%arg12 : memref<32x256xf32, #tpu.memory_space<vmem>>) target(%dma_start3A_264 : memref<32x256xf32, #tpu.memory_space<hbm>>) target_semaphore(%arg28 : memref<!tpu.dma_semaphore, #tpu.memory_space<semaphore_mem>>)
      %add3A_265 = arith.constant 3 : i32
      %add3A_266 = arith.addi %add3A_57, %add3A_265 : i32
      %mul3A_267 = arith.constant 32 : i32
      %mul3A_268 = arith.muli %add3A_266, %mul3A_267 : i32
      %add3A_269 = arith.addi %mul3A_2, %mul3A_268 : i32
      %dma_start3A_270 = arith.constant 0 : i32
      %dma_start3A_271 = tpu.memref_slice %arg4[%add3A_269, %dma_start3A_270] : memref<65536x256xf32, #tpu.memory_space<hbm>> -> memref<32x256xf32, #tpu.memory_space<hbm>>
      %dma_start3A_272 = arith.constant 0 : i32
      %dma_start3A_273 = tpu.memref_slice %arg4[%add3A_269, %dma_start3A_272] : memref<65536x256xf32, #tpu.memory_space<hbm>> -> memref<32x256xf32, #tpu.memory_space<hbm>>
      tpu.enqueue_dma source(%arg13 : memref<32x256xf32, #tpu.memory_space<vmem>>) target(%dma_start3A_273 : memref<32x256xf32, #tpu.memory_space<hbm>>) target_semaphore(%arg29 : memref<!tpu.dma_semaphore, #tpu.memory_space<semaphore_mem>>)
    }
    %scan3A_25 = arith.constant 8 : i32
    %add3A_26 = arith.constant 1920 : i32
    %add3A_27 = arith.addi %mul3A_2, %add3A_26 : i32
    %dma_wait3A = arith.constant 0 : i32
    %dma_wait3A_28 = tpu.memref_slice %arg4[%add3A_27, %dma_wait3A] : memref<65536x256xf32, #tpu.memory_space<hbm>> -> memref<32x256xf32, #tpu.memory_space<hbm>>
    %dma_wait3A_29 = arith.constant 0 : i32
    %dma_wait3A_30 = tpu.memref_slice %arg4[%add3A_27, %dma_wait3A_29] : memref<65536x256xf32, #tpu.memory_space<hbm>> -> memref<32x256xf32, #tpu.memory_space<hbm>>
    tpu.wait_dma2 semaphore(%arg26 : memref<!tpu.dma_semaphore, #tpu.memory_space<semaphore_mem>>) src(%arg10 : memref<32x256xf32, #tpu.memory_space<vmem>>) dst(%dma_wait3A_30 : memref<32x256xf32, #tpu.memory_space<hbm>>)
    %add3A_31 = arith.constant 1952 : i32
    %add3A_32 = arith.addi %mul3A_2, %add3A_31 : i32
    %dma_wait3A_33 = arith.constant 0 : i32
    %dma_wait3A_34 = tpu.memref_slice %arg4[%add3A_32, %dma_wait3A_33] : memref<65536x256xf32, #tpu.memory_space<hbm>> -> memref<32x256xf32, #tpu.memory_space<hbm>>
    %dma_wait3A_35 = arith.constant 0 : i32
    %dma_wait3A_36 = tpu.memref_slice %arg4[%add3A_32, %dma_wait3A_35] : memref<65536x256xf32, #tpu.memory_space<hbm>> -> memref<32x256xf32, #tpu.memory_space<hbm>>
    tpu.wait_dma2 semaphore(%arg27 : memref<!tpu.dma_semaphore, #tpu.memory_space<semaphore_mem>>) src(%arg11 : memref<32x256xf32, #tpu.memory_space<vmem>>) dst(%dma_wait3A_36 : memref<32x256xf32, #tpu.memory_space<hbm>>)
    %add3A_37 = arith.constant 1984 : i32
    %add3A_38 = arith.addi %mul3A_2, %add3A_37 : i32
    %dma_wait3A_39 = arith.constant 0 : i32
    %dma_wait3A_40 = tpu.memref_slice %arg4[%add3A_38, %dma_wait3A_39] : memref<65536x256xf32, #tpu.memory_space<hbm>> -> memref<32x256xf32, #tpu.memory_space<hbm>>
    %dma_wait3A_41 = arith.constant 0 : i32
    %dma_wait3A_42 = tpu.memref_slice %arg4[%add3A_38, %dma_wait3A_41] : memref<65536x256xf32, #tpu.memory_space<hbm>> -> memref<32x256xf32, #tpu.memory_space<hbm>>
    tpu.wait_dma2 semaphore(%arg28 : memref<!tpu.dma_semaphore, #tpu.memory_space<semaphore_mem>>) src(%arg12 : memref<32x256xf32, #tpu.memory_space<vmem>>) dst(%dma_wait3A_42 : memref<32x256xf32, #tpu.memory_space<hbm>>)
    %add3A_43 = arith.constant 2016 : i32
    %add3A_44 = arith.addi %mul3A_2, %add3A_43 : i32
    %dma_wait3A_45 = arith.constant 0 : i32
    %dma_wait3A_46 = tpu.memref_slice %arg4[%add3A_44, %dma_wait3A_45] : memref<65536x256xf32, #tpu.memory_space<hbm>> -> memref<32x256xf32, #tpu.memory_space<hbm>>
    %dma_wait3A_47 = arith.constant 0 : i32
    %dma_wait3A_48 = tpu.memref_slice %arg4[%add3A_44, %dma_wait3A_47] : memref<65536x256xf32, #tpu.memory_space<hbm>> -> memref<32x256xf32, #tpu.memory_space<hbm>>
    tpu.wait_dma2 semaphore(%arg29 : memref<!tpu.dma_semaphore, #tpu.memory_space<semaphore_mem>>) src(%arg13 : memref<32x256xf32, #tpu.memory_space<vmem>>) dst(%dma_wait3A_48 : memref<32x256xf32, #tpu.memory_space<hbm>>)
    return
  }
}

module attributes {stable_mosaic.version = 14 : i64} {
  func.func @_renorm_body(%arg0: memref<32x256xf32, #tpu.memory_space<vmem>>, %arg1: memref<32x256xf32, #tpu.memory_space<vmem>>, %arg2: memref<32x256xbf16, #tpu.memory_space<vmem>>, %arg3: memref<32x256xbf16, #tpu.memory_space<vmem>>) attributes {dimension_semantics = [], scalar_prefetch = 0 : i64, scratch_operands = 0 : i64, tpu.core_type = #tpu.core_type<tc>} {
    %get3A = arith.constant 0 : index
    %get3A_0 = arith.constant 0 : index
    %get3A_1 = vector.load %arg0[%get3A, %get3A_0] : memref<32x256xf32, #tpu.memory_space<vmem>>, vector<32x256xf32>
    %mul3A = arith.mulf %get3A_1, %get3A_1 : vector<32x256xf32>
    %reduce_sum3A = arith.constant dense<0.000000e+00> : vector<32xf32>
    %reduce_sum3A_2 = vector.multi_reduction <add>, %mul3A, %reduce_sum3A [1] : vector<32x256xf32> to vector<32xf32>
    %broadcast_in_dim3A = vector.shape_cast %reduce_sum3A_2 : vector<32xf32> to vector<32x1xf32>
    %sqrt3A = math.sqrt %broadcast_in_dim3A : vector<32x1xf32>
    %gt3A = arith.constant 1.000000e+00 : f32
    %gt3A_3 = vector.broadcast %gt3A : f32 to vector<32x1xf32>
    %gt3A_4 = arith.cmpf ogt, %sqrt3A, %gt3A_3 : vector<32x1xf32>
    %add3A = arith.constant 1.000000e-07 : f32
    %add3A_5 = vector.broadcast %add3A : f32 to vector<32x1xf32>
    %add3A_6 = arith.addf %sqrt3A, %add3A_5 : vector<32x1xf32>
    %div3A = arith.constant 1.000000e+00 : f32
    %div3A_7 = vector.broadcast %div3A : f32 to vector<32x1xf32>
    %div3A_8 = arith.divf %div3A_7, %add3A_6 : vector<32x1xf32>
    %jit3A = arith.constant 1.000000e+00 : f32
    %broadcast_in_dim3A_9 = vector.broadcast %jit3A : f32 to vector<32x1xf32>
    %select_n3A = arith.select %gt3A_4, %div3A_8, %broadcast_in_dim3A_9 : vector<32x1xi1>, vector<32x1xf32>
    %mul3A_10 = vector.broadcast %select_n3A : vector<32x1xf32> to vector<32x256xf32>
    %mul3A_11 = arith.mulf %get3A_1, %mul3A_10 : vector<32x256xf32>
    %swap3A = arith.constant 0 : index
    %swap3A_12 = arith.constant 0 : index
    %swap3A_13 = vector.load %arg1[%swap3A, %swap3A_12] : memref<32x256xf32, #tpu.memory_space<vmem>>, vector<32x256xf32>
    tpu.vector_store %arg1[%swap3A, %swap3A_12], %mul3A_11 {strides = array<i32>} : memref<32x256xf32, #tpu.memory_space<vmem>>, vector<32x256xf32>,
    %convert_element_type3A = arith.truncf %mul3A_11 : vector<32x256xf32> to vector<32x256xbf16>
    %swap3A_14 = arith.constant 0 : index
    %swap3A_15 = arith.constant 0 : index
    %swap3A_16 = vector.load %arg2[%swap3A_14, %swap3A_15] : memref<32x256xbf16, #tpu.memory_space<vmem>>, vector<32x256xbf16>
    tpu.vector_store %arg2[%swap3A_14, %swap3A_15], %convert_element_type3A {strides = array<i32>} : memref<32x256xbf16, #tpu.memory_space<vmem>>, vector<32x256xbf16>,
    %convert_element_type3A_17 = arith.extf %convert_element_type3A : vector<32x256xbf16> to vector<32x256xf32>
    %sub3A = arith.subf %mul3A_11, %convert_element_type3A_17 : vector<32x256xf32>
    %convert_element_type3A_18 = arith.truncf %sub3A : vector<32x256xf32> to vector<32x256xbf16>
    %swap3A_19 = arith.constant 0 : index
    %swap3A_20 = arith.constant 0 : index
    %swap3A_21 = vector.load %arg3[%swap3A_19, %swap3A_20] : memref<32x256xbf16, #tpu.memory_space<vmem>>, vector<32x256xbf16>
    tpu.vector_store %arg3[%swap3A_19, %swap3A_20], %convert_element_type3A_18 {strides = array<i32>} : memref<32x256xbf16, #tpu.memory_space<vmem>>, vector<32x256xbf16>,
    return
  }
}

module attributes {stable_mosaic.version = 14 : i64} {
  func.func @_tc_body(%arg0: i32, %arg1: memref<1x1x8192xi32, #tpu.memory_space<vmem>>, %arg2: memref<32x256xbf16, #tpu.memory_space<vmem>>, %arg3: memref<32x256xbf16, #tpu.memory_space<vmem>>, %arg4: memref<8192x256xf32, #tpu.memory_space<vmem>>) attributes {dimension_semantics = [#tpu.dimension_semantics<parallel>], iteration_bounds = array<i64: 92>, scalar_prefetch = 0 : i64, scratch_operands = 0 : i64, tpu.core_type = #tpu.core_type<tc>, window_params = [{transform_indices = @transform_0, window_bounds = array<i64: 1, 1, 8192>}, {pipeline_mode = #tpu.pipeline_mode<synchronous>, transform_indices = @transform_1, window_bounds = array<i64: 32, 256>}, {pipeline_mode = #tpu.pipeline_mode<synchronous>, transform_indices = @transform_2, window_bounds = array<i64: 32, 256>}, {transform_indices = @transform_3, window_bounds = array<i64: 8192, 256>}]} {
    %get3A = arith.constant 0 : index
    %get3A_0 = arith.constant 0 : index
    %get3A_1 = arith.constant 0 : index
    %get3A_2 = vector.load %arg1[%get3A, %get3A_0, %get3A_1] : memref<1x1x8192xi32, #tpu.memory_space<vmem>>, vector<1x1x8192xi32>
    %get3A_3 = vector.shape_cast %get3A_2 : vector<1x1x8192xi32> to vector<8192xi32>
    %broadcast_in_dim3A = vector.shape_cast %get3A_3 : vector<8192xi32> to vector<8192x1xi32>
    %iota3A = tpu.iota {dimensions = array<i32: 1>} : vector<1x32xi32>
    %eq3A = vector.broadcast %broadcast_in_dim3A : vector<8192x1xi32> to vector<8192x32xi32>
    %eq3A_4 = vector.broadcast %iota3A : vector<1x32xi32> to vector<8192x32xi32>
    %eq3A_5 = arith.cmpi eq, %eq3A, %eq3A_4 : vector<8192x32xi32>
    %convert_element_type3A = arith.extui %eq3A_5 : vector<8192x32xi1> to vector<8192x32xi32>
    %convert_element_type3A_6 = arith.sitofp %convert_element_type3A : vector<8192x32xi32> to vector<8192x32xf32>
    %convert_element_type3A_7 = arith.truncf %convert_element_type3A_6 : vector<8192x32xf32> to vector<8192x32xbf16>
    %get3A_8 = arith.constant 0 : index
    %get3A_9 = arith.constant 0 : index
    %get3A_10 = vector.load %arg2[%get3A_8, %get3A_9] : memref<32x256xbf16, #tpu.memory_space<vmem>>, vector<32x256xbf16>
    %dot_general3A = arith.constant dense<0.000000e+00> : vector<8192x256xf32>
    %dot_general3A_11 = tpu.matmul %convert_element_type3A_7, %get3A_10, %dot_general3A {dimension_numbers = #tpu.dot_dimension_numbers<[1], [0], [0], [1], [0, 0, 1, 1], [], []>, transpose_lhs_hint = false} : vector<8192x32xbf16>, vector<32x256xbf16>, vector<8192x256xf32> -> vector<8192x256xf32>
    %get3A_12 = arith.constant 0 : index
    %get3A_13 = arith.constant 0 : index
    %get3A_14 = vector.load %arg3[%get3A_12, %get3A_13] : memref<32x256xbf16, #tpu.memory_space<vmem>>, vector<32x256xbf16>
    %dot_general3A_15 = arith.constant dense<0.000000e+00> : vector<8192x256xf32>
    %dot_general3A_16 = tpu.matmul %convert_element_type3A_7, %get3A_14, %dot_general3A_15 {dimension_numbers = #tpu.dot_dimension_numbers<[1], [0], [0], [1], [0, 0, 1, 1], [], []>, transpose_lhs_hint = false} : vector<8192x32xbf16>, vector<32x256xbf16>, vector<8192x256xf32> -> vector<8192x256xf32>
    %add3A = arith.addf %dot_general3A_11, %dot_general3A_16 : vector<8192x256xf32>
    %swap3A = arith.constant 0 : index
    %swap3A_17 = arith.constant 0 : index
    %swap3A_18 = vector.load %arg4[%swap3A, %swap3A_17] : memref<8192x256xf32, #tpu.memory_space<vmem>>, vector<8192x256xf32>
    tpu.vector_store %arg4[%swap3A, %swap3A_17], %add3A {strides = array<i32>} : memref<8192x256xf32, #tpu.memory_space<vmem>>, vector<8192x256xf32>,
    return
  }
  func.func @transform_0(%arg0: i32) -> (i32, i32, i32) {
    %c0_i32 = arith.constant 0 : i32
    %c0_i32_0 = arith.constant 0 : i32
    %c0_i32_1 = arith.constant 0 : i32
    return %arg0, %c0_i32, %c0_i32_0 : i32, i32, i32
  }
  func.func @transform_1(%arg0: i32) -> (i32, i32) {
    %c0_i32 = arith.constant 0 : i32
    %c0_i32_0 = arith.constant 0 : i32
    %c0_i32_1 = arith.constant 0 : i32
    return %c0_i32, %c0_i32_0 : i32, i32
  }
  func.func @transform_2(%arg0: i32) -> (i32, i32) {
    %c0_i32 = arith.constant 0 : i32
    %c0_i32_0 = arith.constant 0 : i32
    %c0_i32_1 = arith.constant 0 : i32
    return %c0_i32, %c0_i32_0 : i32, i32
  }
  func.func @transform_3(%arg0: i32) -> (i32, i32) {
    %c0_i32 = arith.constant 0 : i32
    %c0_i32_0 = arith.constant 0 : i32
    return %arg0, %c0_i32 : i32, i32
  }
}

</mosaic_0001>

<sc_bundles>
// kernel: kernel.5.cloned.1.call-start
scs
__scs_entry_jumppad:
0x0: {  	(pc) =	sbr.rel $0x88, $3  }
0x1: {  	(tag) =	ssettag $0x0;
	lr =	simm.s32 $0x1  }
0x2: {  	[smem:$0x3F9F] =	sst lr;
	_ =	strace $0xD0000000  }
0x3: {  	_ = 	snop  }
0x4: {  	_ = 	snop  }
0x5: {  	_ = 	snop  }
0x6: {  	_ = 	snop  }
0x7: {  	_ = 	snop  }
__scs_overlays_trampoline_lowered:
0x8: {  	[smem:$0x3FAE] =	sst s0  }
0x9: {  	[smem:$0x3FAF] =	sst s1  }
0xa: {  	[smem:$0x3FB0] =	sst s2  }
0xb: {  	[smem:$0x3FB1] =	sst s3  }
0xc: {  	[smem:$0x3FB2] =	sst s4  }
0xd: {  	[smem:$0x3FB3] =	sst s5  }
0xe: {  	[smem:$0x3FB4] =	sst s6  }
0xf: {  	[smem:$0x3FB5] =	sst s7  }
0x10: {  	[smem:$0x3FB6] =	sst s8  }
0x11: {  	[smem:$0x3FB7] =	sst s9;
	s0 =	simm.s32 @!p0 $0x0  }
0x12: {  	s1 =	sld [smem:$0x3F9D];
	s0 =	simm.s32 @p0 $0x1  }
0x13: {  	[smem:$0x3FB8] =	sst s0;
	s0 =	simm.s32 @!p1 $0x0  }
0x14: {  	s2 =	sld [smem:$0x3F9C];
	s0 =	simm.s32 @p1 $0x1  }
0x15: {  	[smem:$0x3FB9] =	sst s0;
	s0 =	simm.s32 @!p2 $0x0  }
0x16: {  	s3 =	sld [smem:$0x3FDB];
	s0 =	simm.s32 @p2 $0x1  }
0x17: {  	s4 =	simm.s32 $0x1BF5;
	[smem:$0x3FBB] =	sst s0  }
0x18: {  	s0 =	sld [smem:$0x3F9E];
	_ =	swait.ge [sflag:s4], $0x0  }
0x19: {  	s7 =	sld [smem:$0x3F9F]  }
0x1a: {  	s8 =	sadd.s32 $0xFFFFE003, lr  }
0x1b: {  	s9 =	sadd.s32 $0xFFFFFEF7, lr;
	s5 =	simm.s32 $0xFFFFFFFF;
	p2 =	slt.u32 s8, $0xFFFFF086  }
0x1c: {  	p1 =	slt.u32 s9, $0xF7A;
	s5 =	simm.s32 @!p2 $0x0  }
0x1d: {  	s5 =	simm.s32 @p1 $0x1;
	p0 =	seq.s32 s7, s2  }
0x1e: {  	s7 =	smul.u32 @!p0 $0xF7A, s2;
	p2 =	seq.s32 @!p0 s5, $0x0  }
0x1f: {  	s9 =	smul.u32 $0xF7A, s1;
	s8 =	simm.s32 @!p0 $0x1BF5;
	p2 =	por !p2, p0  }
0x20: {  	[sflag:s8] =	ssyncset.s32 @!p0 $0xFFFFF086;
	s6 =	sadd.s32 @!p0 s3, s7;
	s7 =	simm.s32 @!p0 $0x108  }
0x21: {  	s3 =	sadd.s32 s3, s9;
	s6 =	sadd.s32 @!p0 $0x88, s6;
	s7 =	simm.s32 @p2 $0x1082  }
0x22: {  	[simem:s7], [sflag:s8] =	dma.local @!p0 [hbm:s6], $0xF7A  }
0x23: {  	s9 =	sor.u32 $0xD0000000, s2;
	s6 =	simm.s32 $0x108;
	_ =	swait.ge @!p0 [sflag:s8], $0x0  }
0x24: {  	s3 =	sadd.s32 $0x88, s3;
	s6 =	simm.s32 @!p1 $0x1082;
	[sflag:s4] =	ssyncset.s32 $0xFFFFF086  }
0x25: {  	[simem:s6], [sflag:s4] =	dma.local [hbm:s3], $0xF7A  }
0x26: {  	[smem:$0x3F9F] =	sst s1;
	(tag) =	ssettag s2;
	_ =	strace s9  }
0x27: {  	s1 =	sld [smem:$0x3FAF]  }
0x28: {  	s2 =	sld [smem:$0x3FB0]  }
0x29: {  	s4 =	sld [smem:$0x3FB2]  }
0x2a: {  	p0 =	seq.s32 s5, $0x0;
	s5 =	sld [smem:$0x3FB3]  }
0x2b: {  	s6 =	sld [smem:$0x3FB4]  }
0x2c: {  	s7 =	sld [smem:$0x3FB5]  }
0x2d: {  	s3 =	simm.s32 $0x108;
	s8 =	sld [smem:$0x3FB6]  }
0x2e: {  	s3 =	simm.s32 @!p0 $0x1082;
	s9 =	sld [smem:$0x3FB7]  }
0x2f: {  	lr =	sadd.s32 s0, s3;
	s0 =	sld [smem:$0x3FAE]  }
0x30: {  	s3 =	sld [smem:$0x3FB1]  }
0x31: {  	[smem:$0x3FBA] =	sst s10  }
0x32: {  	s10 =	sld [smem:$0x3FB8];
	_ =	sdelay $0x3  }
0x33: {  	p0 =	seq.s32 s10, $0x1;
	s10 =	sld [smem:$0x3FBA];
	_ =	sdelay $0x3  }
0x34: {  	[smem:$0x3FBA] =	sst s10  }
0x35: {  	s10 =	sld [smem:$0x3FB9];
	_ =	sdelay $0x3  }
0x36: {  	p1 =	seq.s32 s10, $0x1;
	s10 =	sld [smem:$0x3FBA];
	_ =	sdelay $0x3  }
0x37: {  	[smem:$0x3FBA] =	sst s10  }
0x38: {  	s10 =	sld [smem:$0x3FBB]  }
0x39: {  	_ = 	snop;
	(pc) =	sbr.ind lr, $3  }
0x3a: {  	_ = 	snop  }
0x3b: {  	_ = 	snop  }
0x3c: {  	p2 =	seq.s32 s10, $0x1;
	s10 =	sld [smem:$0x3FBA]  }
0x3d: {  	_ =	shalt  }
0x3e: {  	_ =	shalt  }
0x3f: {  	_ =	shalt  }
0x40: {  	_ =	shalt  }
0x41: {  	_ =	shalt  }
0x42: {  	_ =	shalt  }
0x43: {  	_ =	shalt  }
0x44: {  	_ =	shalt  }
0x45: {  	_ =	shalt  }
0x46: {  	_ =	shalt  }
0x47: {  	_ =	shalt  }
0x48: {  	_ =	shalt  }
0x49: {  	_ =	shalt  }
0x4a: {  	_ =	shalt  }
0x4b: {  	_ =	shalt  }
0x4c: {  	_ =	shalt  }
0x4d: {  	_ =	shalt  }
0x4e: {  	_ =	shalt  }
0x4f: {  	_ =	shalt  }
0x50: {  	_ =	shalt  }
0x51: {  	_ =	shalt  }
0x52: {  	_ =	shalt  }
0x53: {  	_ =	shalt  }
0x54: {  	_ =	shalt  }
0x55: {  	_ =	shalt  }
0x56: {  	_ =	shalt  }
0x57: {  	_ =	shalt  }
0x58: {  	_ =	shalt  }
0x59: {  	_ =	shalt  }
0x5a: {  	_ =	shalt  }
0x5b: {  	_ =	shalt  }
0x5c: {  	_ =	shalt  }
0x5d: {  	_ =	shalt  }
0x5e: {  	_ =	shalt  }
0x5f: {  	_ =	shalt  }
0x60: {  	_ =	shalt  }
0x61: {  	_ =	shalt  }
0x62: {  	_ =	shalt  }
0x63: {  	_ =	shalt  }
0x64: {  	_ =	shalt  }
0x65: {  	_ =	shalt  }
0x66: {  	_ =	shalt  }
0x67: {  	_ =	shalt  }
0x68: {  	_ =	shalt  }
0x69: {  	_ =	shalt  }
0x6a: {  	_ =	shalt  }
0x6b: {  	_ =	shalt  }
0x6c: {  	_ =	shalt  }
0x6d: {  	_ =	shalt  }
0x6e: {  	_ =	shalt  }
0x6f: {  	_ =	shalt  }
0x70: {  	_ =	shalt  }
0x71: {  	_ =	shalt  }
0x72: {  	_ =	shalt  }
0x73: {  	_ =	shalt  }
0x74: {  	_ =	shalt  }
0x75: {  	_ =	shalt  }
0x76: {  	_ =	shalt  }
0x77: {  	_ =	shalt  }
0x78: {  	_ =	shalt  }
0x79: {  	_ =	shalt  }
0x7a: {  	_ =	shalt  }
0x7b: {  	_ =	shalt  }
0x7c: {  	_ =	shalt  }
0x7d: {  	_ =	shalt  }
0x7e: {  	_ =	shalt  }
0x7f: {  	_ =	shalt  }
0x80: {  	_ =	shalt  }
0x81: {  	_ =	shalt  }
0x82: {  	_ =	shalt  }
0x83: {  	_ =	shalt  }
0x84: {  	_ =	shalt  }
0x85: {  	_ =	shalt  }
0x86: {  	_ =	shalt  }
0x87: {  	_ =	shalt  }
.Lfunc_end0:
.L_simem_size_0:
called_computation_lowered:
.L_overlay_start_0:
0x88: {  	s2 =	sld [smem:$0x3FD9]  }
0x89: {  	s3 =	sld [smem:$0x3FFE];
	_ =	sdelay $0x1  }
0x8a: {  	s1 =	srdreg.scid  }
0x8b: {  	s0 =	sand.u32 $0x1, s1  }
0x8c: {  	s16 =	sshll.u32 s0, $0xA;
	s2 =	sadd.s32 s3, s2  }
0x8d: {  	s2 =	sadd.s32 s2, s16  }
0x8e: {  	[smem:$0x3FC6] =	sst s2  }
0x8f: {  	_ = 	snop  }
0x90: {  	(tm) =	ssettm $0x1  }
0x91: {  	s17 =	sld [smem:$0x3FFB];
	_ =	sdelay $0x3  }
0x92: {  	_ =	strace s17  }
0x93: {  	s2 =	sld [smem:$0x3FFC];
	_ =	sdelay $0x3  }
0x94: {  	_ =	strace s2  }
0x95: {  	s2 =	sld [smem:$0x3FFD];
	_ =	sdelay $0x3  }
0x96: {  	_ =	strace s2  }
0x97: {  	_ =	strace $0x8FFFFFFF  }
0x98: {  	s18 =	sld [smem:$0x3FDB];
	_ =	sdelay $0x1  }
0x99: {  	s19 =	simm.s32 $_scs_section_size  }
0x9a: {  	s4 =	simm.s32 $_size__tile_overlayer_lowered;
	s5 =	simm.s32 $_tile_overlayer_lowered  }
0x9b: {  	s22 =	simm.s32 $0x1BFF;
	s21 =	sshll.u32 s5, $0x1;
	s2 =	sadd.s32 s19, s18  }
0x9c: {  	s6 =	simm.s32 $0x0;
	s20 =	sshll.u32 s4, $0x1;
	s4 =	sadd.s32 s21, s2  }
0x9d: {  	[timem:s6], [sflag:s22] =	dma.local [hbm:s4], s20  }
0x9e: {  	_ =	swait.ge [sflag:s22], s20  }
0x9f: {  	s3 =	ssub.s32 $0x0, s20;
	[sflag:s22] =	ssyncset.done $0x0  }
0xa0: {  	[sflag:s22] =	ssyncadd.s32 s3;
	_ =	sdelay $0x1  }
0xa1: {  	s23 =	simm.s32 $0x1B8B  }
0xa2: {  	_ =	swait.ge [sflag:s23], $0x1  }
0xa3: {  	[sflag:s23] =	ssyncset.done $0x0  }
0xa4: {  	s25 =	simm.s32 $0x1B8E;
	s24 =	sld [smem:$0x3FFE];
	[sflag:s23] =	ssyncadd.s32 $0xFFFFFFFF  }
0xa5: {  	s26 =	simm.s32 $execute0_lowered;
	[smem:$0x3FD2] =	sst s25  }
0xa6: {  	s4 =	sshll.u32 s26, $0x1;
	_ =	strace $0x80000046;
	[dreg:$0x1] =	wrdreg $0xFFFFFFFF  }
0xa7: {  	s28 =	simm.s32 $_size_execute0_lowered;
	s2 =	sadd.s32 s2, s4;
	[dreg:$0x0] =	wrdreg $0x0  }
0xa8: {  	s4 =	sshll.u32 s28, $0x1;
	[dreg:$0x2] =	wrdreg s2  }
0xa9: {  	[dreg:$0x3] =	wrdreg s4  }
0xaa: {  	[dreg:$0x4] =	wrdreg $0xC0  }
0xab: {  	_ =	task [dreg:s6], $0x5FFFF  }
0xac: {  	[dreg:$0x1] =	wrdreg $0xFFFFFFFF  }
0xad: {  	[dreg:$0x0] =	wrdreg $0x60  }
0xae: {  	[dreg:$0x2] =	wrdreg s24  }
0xaf: {  	[dreg:$0x3] =	wrdreg $0x9  }
0xb0: {  	_ =	task.clear_ibuf [dreg:s6], $0x4FFFF;
	_ =	strace $0x90000046  }
0xb1: {  	s29 =	simm.s32 $0x9;
	_ =	strace $0x80000048  }
0xb2: {  	_ =	swait.ge [sflag:s29], $0x1  }
0xb3: {  	[sflag:s29] =	ssyncadd.s32 $0xFFFFFFFF  }
0xb4: {  	_ =	strace $0x90000048  }
0xb5: {  	_ =	sfence  }
0xb6: {  	s30 =	sld [smem:$0x0];
	_ =	sdelay $0x2  }
0xb7: {  	s31 =	sshll.u32 s1, $0xD;
	s1 =	sshrl.u32 s1, $0x2  }
0xb8: {  	s3 =	sand.u32 $0x4000, s31;
	s1 =	sadd.s32 s1, s30  }
0xb9: {  	s0 =	sor.u32 s3, s0;
	s1 =	sshll.u32 s1, $0x11  }
0xba: {  	s0 =	sor.u32 s1, s0  }
0xbb: {  	s0 =	sadd.s32 $0x8F2B, s0  }
0xbc: {  	[sflag:s0] =	ssyncadd.remote.s32 $0x1  }
0xbd: {  	_ =	sfence.sel $0xFFFF  }
0xbe: {  	[dreg:$0x0] =	wrdreg $0xFFFFFFFF;
	(pc) =	sbr.abs _section_cstart, $3  }
0xbf: {  	[dreg:$0x1] =	wrdreg $0xFFFFFFFF  }
0xc0: {  	_ =	task.clear_ibuf [dreg:s6], $0x2FFFF;
	_ =	strace $0x9FFFFFFF  }
0xc1: {  	(tm) =	ssettm $0x7FFFFFFF  }
tec
execute0_lowered:
.L_overlay_start_1:
0x0: {  	(tag) =	ssettag $0x1  }
0x1: {  	s0 =	rddreg [dreg:$0x0];
	s1 =	srdreg.scid;
	s2 =	simm.s32 $0x0  }
0x2: {  	s6 =	stileid.u32;
	s8 =	simm.s32 $0x800;
	s12 =	simm.s32 $0x2800  }
0x3: {  	s16 =	simm.s32 $0x4800;
	s20 =	simm.s32 $0x6800;
	s24 =	simm.s32 $0x1  }
0x4: {  	s25 =	simm.s32 $0x2;
	s28 =	simm.s32 $0x4;
	s29 =	simm.s32 $0x8800  }
0x5: {  	s9 =	simm.s32 $0xC800;
	s13 =	simm.s32 $0xE000;
	s14 =	simm.s32 $0xE800  }
0x6: {  	s15 =	simm.s32 $0xF000;
	s17 =	simm.s32 $0xF800;
	s18 =	simm.s32 $0x10000  }
0x7: {  	s19 =	simm.s32 $0x5;
	s21 =	simm.s32 $0x6;
	s22 =	simm.s32 $0x7  }
0x8: {  	s23 =	simm.s32 $0x8;
	s30 =	simm.s32 $0x9;
	s31 =	simm.s32 $0xA  }
0x9: {  	s10 =	simm.s32 $0x0;
	s1 =	sand.u32 $0x1, s1;
	[smem:$0x7FF] =	sst s2  }
0xa: {  	s3 =	sshll.u32 s6, $0xC;
	s6 =	sshll.u32 s6, $0x11;
	s4 =	sshll.u32 s1, $0xB  }
0xb: {  	_ =	strace $0x80000047;
	s5 =	ssub.s32 $0x2, s1;
	s1 =	sshll.u32 s1, $0x10  }
0xc: {  	s4 =	sor.u32 s4, s3;
	s3 =	sadd.s32 $0x800, s0;
	s7 =	sshrl.u32 s5, $0x1  }
.Ltmp0:
0xd: {  	s4 =	sshrl.u32 s4, $0x3;
	s5 =	ssub.s32 s5, s7;
	(pc) =	sbr.rel .LBB2_1-.Ltmp0, $4  }
0xe: {  	s4 =	sadd.s32 s4, s0;
	s0 =	sadd.s32 s6, s0;
	s26 =	smax.u32 s5, $0x1  }
0xf: {  	v2 =	vlaneseq.u32;
	s4 =	sadd.s32 $0xC00, s4;
	[dreg:$0x3] =	wrdreg s26;
	s0 =	sadd.s32 s1, s0  }
0x10: {  	vm0 =	vmmov $0xffff;
	v1 =	vshrl.u32 v2, $0x3;
	s26 =	simm.s32 $0x3;
	s1 =	simm.s32 $0xA800;
	[dreg:$0x2] =	wrdreg s4  }
0x11: {  	v0 =	vand.u32 $0x7, v2;
	v2 =	vor.u32 $0x8, v2;
	v1 =	vmul.u32 $0x8, v1;
	s6 =	sadd.s32 $0x2C00, s0;
	s0 =	simm.s32 $0xB;
	s4 =	simm.s32 $0xC  }
.LBB2_6:
0x12: {  	s5 =	simm.s32 $0xD  }
0x13: {  	_ =	swait.ge [sflag:s5], $0x2000  }
0x14: {  	[sflag:s5] =	ssyncset.done $0x0  }
0x15: {  	s7 =	simm.s32 $0xE;
	[sflag:s5] =	ssyncadd.s32 $0xFFFFE000  }
0x16: {  	_ =	swait.ge [sflag:s7], $0x2000  }
0x17: {  	[sflag:s7] =	ssyncset.done $0x0  }
0x18: {  	s10 =	simm.s32 $0xF;
	[sflag:s7] =	ssyncadd.s32 $0xFFFFE000  }
0x19: {  	_ =	swait.ge [sflag:s10], $0x2000  }
0x1a: {  	[sflag:s10] =	ssyncset.done $0x0  }
0x1b: {  	s7 =	simm.s32 $0x10;
	[sflag:s10] =	ssyncadd.s32 $0xFFFFE000  }
0x1c: {  	_ =	swait.ge [sflag:s7], $0x2000  }
0x1d: {  	s10 =	rddreg [dreg:$0x4]  }
0x1e: {  	s11 =	rddreg [dreg:$0x3];
	s10 =	sadd.s32 $0x1, s10  }
0x1f: {  	p0 =	sne.s32 s10, s11  }
.Ltmp1:
0x20: {  	_ = 	snop;
	(pc) =	sbr.rel @!p0 .LBB2_7-.Ltmp1, $3  }
0x21: {  	_ =	sdelay $0x1  }
0x22: {  	[sflag:s7] =	ssyncset.done $0x0  }
0x23: {  	[sflag:s7] =	ssyncadd.s32 $0xFFFFE000  }
.LBB2_1:
0x24: {  	[dreg:$0x4] =	wrdreg s10  }
0x25: {  	s5 =	rddreg [dreg:$0x2];
	s11 =	simm.s32 $0x11  }
0x26: {  	[tilespmem:s2], [sflag:$0x11] =	stream.linear.gather [hbm4b:s5+s2], $0x800, $0x38;
	[tilespmem:$0x10800] =	vst v63  }
0x27: {  	_ =	swait.ge [sflag:s11], $0x800  }
0x28: {  	[sflag:s11] =	ssyncset.done $0x0  }
0x29: {  	[sflag:s11] =	ssyncadd.s32 $0xFFFFF800  }
0x2a: {  	v3 =	vld [tilespmem:$0x0];
	_ =	sdelay $0x4  }
0x2b: {  	v4 =	vshll.u32 v3, $0x1  }
0x2c: {  	v3 =	vand.u32 $0x7, v3;
	v4 =	vand.u32 $0xFFFFFFF0, v4  }
0x2d: {  	v3 =	vor.u32 v3, v4  }
0x2e: {  	v4 =	vperm.xlane v3, v0;
	_ =	sdelay $0x1  }
0x2f: {  	v3 =	vperm.xlane v3, v2;
	v4 =	vadd.s32 v1, v4;
	_ =	sdelay $0x1  }
0x30: {  	v3 =	vadd.s32 v1, v3;
	_ =	sdelay $0x2  }
0x31: {  	[tilespmem:s8], [sflag:$0x1] =	stream.indirect_vreg.gather [hbm4b:s3+s2], $0x80, v4, vm0, $0xb8;
	[tilespmem:$0x10800] =	vst v63  }
0x32: {  	s7 =	simm.s32 $0x1000  }
0x33: {  	[tilespmem:s7], [sflag:$0x1] =	stream.indirect_vreg.gather [hbm4b:s3+s2], $0x80, v3, vm0, $0xb8;
	[tilespmem:$0x10800] =	vst v63  }
0x34: {  	v3 =	vld [tilespmem:$0x10];
	_ =	sdelay $0x4  }
0x35: {  	v57 =	vshll.u32 v3, $0x1  }
0x36: {  	v3 =	vand.u32 $0x7, v3;
	v4 =	vand.u32 $0xFFFFFFF0, v57  }
0x37: {  	v3 =	vor.u32 v3, v4  }
0x38: {  	v4 =	vperm.xlane v3, v0;
	_ =	sdelay $0x1  }
0x39: {  	v3 =	vperm.xlane v3, v2;
	v4 =	vadd.s32 v1, v4;
	_ =	sdelay $0x1  }
0x3a: {  	v3 =	vadd.s32 v1, v3;
	_ =	sdelay $0x1  }
0x3b: {  	s10 =	simm.s32 $0x1800  }
0x3c: {  	[tilespmem:s10], [sflag:$0x1] =	stream.indirect_vreg.gather [hbm4b:s3+s2], $0x80, v4, vm0, $0xb8;
	[tilespmem:$0x10800] =	vst v63  }
0x3d: {  	s11 =	simm.s32 $0x2000  }
0x3e: {  	[tilespmem:s11], [sflag:$0x1] =	stream.indirect_vreg.gather [hbm4b:s3+s2], $0x80, v3, vm0, $0xb8;
	[tilespmem:$0x10800] =	vst v63  }
0x3f: {  	v3 =	vld [tilespmem:$0x20];
	_ =	sdelay $0x4  }
0x40: {  	v58 =	vshll.u32 v3, $0x1  }
0x41: {  	v3 =	vand.u32 $0x7, v3;
	v4 =	vand.u32 $0xFFFFFFF0, v58  }
0x42: {  	v3 =	vor.u32 v3, v4  }
0x43: {  	v4 =	vperm.xlane v3, v0;
	_ =	sdelay $0x1  }
0x44: {  	v3 =	vperm.xlane v3, v2;
	v4 =	vadd.s32 v1, v4;
	_ =	sdelay $0x1  }
0x45: {  	v3 =	vadd.s32 v1, v3;
	_ =	sdelay $0x2  }
0x46: {  	[tilespmem:s12], [sflag:$0x2] =	stream.indirect_vreg.gather [hbm4b:s3+s2], $0x80, v4, vm0, $0xb8;
	[tilespmem:$0x10800] =	vst v63  }
0x47: {  	s7 =	simm.s32 $0x3000  }
0x48: {  	[tilespmem:s7], [sflag:$0x2] =	stream.indirect_vreg.gather [hbm4b:s3+s2], $0x80, v3, vm0, $0xb8;
	[tilespmem:$0x10800] =	vst v63  }
0x49: {  	v3 =	vld [tilespmem:$0x30];
	_ =	sdelay $0x4  }
0x4a: {  	v59 =	vshll.u32 v3, $0x1  }
0x4b: {  	v3 =	vand.u32 $0x7, v3;
	v4 =	vand.u32 $0xFFFFFFF0, v59  }
0x4c: {  	v3 =	vor.u32 v3, v4  }
0x4d: {  	v4 =	vperm.xlane v3, v0;
	_ =	sdelay $0x1  }
0x4e: {  	v3 =	vperm.xlane v3, v2;
	v4 =	vadd.s32 v1, v4;
	_ =	sdelay $0x1  }
0x4f: {  	v3 =	vadd.s32 v1, v3;
	_ =	sdelay $0x1  }
0x50: {  	s10 =	simm.s32 $0x3800  }
0x51: {  	[tilespmem:s10], [sflag:$0x2] =	stream.indirect_vreg.gather [hbm4b:s3+s2], $0x80, v4, vm0, $0xb8;
	[tilespmem:$0x10800] =	vst v63  }
0x52: {  	s11 =	simm.s32 $0x4000  }
0x53: {  	[tilespmem:s11], [sflag:$0x2] =	stream.indirect_vreg.gather [hbm4b:s3+s2], $0x80, v3, vm0, $0xb8;
	[tilespmem:$0x10800] =	vst v63  }
0x54: {  	v3 =	vld [tilespmem:$0x40];
	_ =	sdelay $0x4  }
0x55: {  	v60 =	vshll.u32 v3, $0x1  }
0x56: {  	v3 =	vand.u32 $0x7, v3;
	v4 =	vand.u32 $0xFFFFFFF0, v60  }
0x57: {  	v3 =	vor.u32 v3, v4  }
0x58: {  	v4 =	vperm.xlane v3, v0;
	_ =	sdelay $0x1  }
0x59: {  	v3 =	vperm.xlane v3, v2;
	v4 =	vadd.s32 v1, v4;
	_ =	sdelay $0x1  }
0x5a: {  	v3 =	vadd.s32 v1, v3;
	_ =	sdelay $0x2  }
0x5b: {  	[tilespmem:s16], [sflag:$0x3] =	stream.indirect_vreg.gather [hbm4b:s3+s2], $0x80, v4, vm0, $0xb8;
	[tilespmem:$0x10800] =	vst v63  }
0x5c: {  	s7 =	simm.s32 $0x5000  }
0x5d: {  	[tilespmem:s7], [sflag:$0x3] =	stream.indirect_vreg.gather [hbm4b:s3+s2], $0x80, v3, vm0, $0xb8;
	[tilespmem:$0x10800] =	vst v63  }
0x5e: {  	v3 =	vld [tilespmem:$0x50];
	_ =	sdelay $0x4  }
0x5f: {  	v61 =	vshll.u32 v3, $0x1  }
0x60: {  	v3 =	vand.u32 $0x7, v3;
	v4 =	vand.u32 $0xFFFFFFF0, v61  }
0x61: {  	v3 =	vor.u32 v3, v4  }
0x62: {  	v4 =	vperm.xlane v3, v0;
	_ =	sdelay $0x1  }
0x63: {  	v3 =	vperm.xlane v3, v2;
	v4 =	vadd.s32 v1, v4;
	_ =	sdelay $0x1  }
0x64: {  	v3 =	vadd.s32 v1, v3;
	_ =	sdelay $0x1  }
0x65: {  	s10 =	simm.s32 $0x5800  }
0x66: {  	[tilespmem:s10], [sflag:$0x3] =	stream.indirect_vreg.gather [hbm4b:s3+s2], $0x80, v4, vm0, $0xb8;
	[tilespmem:$0x10800] =	vst v63  }
0x67: {  	s11 =	simm.s32 $0x6000  }
0x68: {  	[tilespmem:s11], [sflag:$0x3] =	stream.indirect_vreg.gather [hbm4b:s3+s2], $0x80, v3, vm0, $0xb8;
	[tilespmem:$0x10800] =	vst v63  }
0x69: {  	v3 =	vld [tilespmem:$0x60];
	_ =	sdelay $0x4  }
0x6a: {  	v62 =	vshll.u32 v3, $0x1  }
0x6b: {  	v3 =	vand.u32 $0x7, v3;
	v4 =	vand.u32 $0xFFFFFFF0, v62  }
0x6c: {  	v3 =	vor.u32 v3, v4  }
0x6d: {  	v4 =	vperm.xlane v3, v0;
	_ =	sdelay $0x1  }
0x6e: {  	v3 =	vperm.xlane v3, v2;
	v4 =	vadd.s32 v1, v4;
	_ =	sdelay $0x1  }
0x6f: {  	v3 =	vadd.s32 v1, v3;
	_ =	sdelay $0x2  }
0x70: {  	[tilespmem:s20], [sflag:$0x4] =	stream.indirect_vreg.gather [hbm4b:s3+s2], $0x80, v4, vm0, $0xb8;
	[tilespmem:$0x10800] =	vst v63  }
0x71: {  	s7 =	simm.s32 $0x7000  }
0x72: {  	[tilespmem:s7], [sflag:$0x4] =	stream.indirect_vreg.gather [hbm4b:s3+s2], $0x80, v3, vm0, $0xb8;
	[tilespmem:$0x10800] =	vst v63  }
0x73: {  	v3 =	vld [tilespmem:$0x70];
	_ =	sdelay $0x4  }
0x74: {  	v63 =	vshll.u32 v3, $0x1  }
0x75: {  	v3 =	vand.u32 $0x7, v3;
	v4 =	vand.u32 $0xFFFFFFF0, v63  }
0x76: {  	v3 =	vor.u32 v3, v4  }
0x77: {  	v4 =	vperm.xlane v3, v0;
	_ =	sdelay $0x1  }
0x78: {  	v3 =	vperm.xlane v3, v2;
	v4 =	vadd.s32 v1, v4;
	_ =	sdelay $0x1  }
0x79: {  	v3 =	vadd.s32 v1, v3  }
.Ltmp2:
0x7a: {  	_ = 	snop;
	(pc) =	sbr.rel .LBB2_2-.Ltmp2, $4  }
0x7b: {  	s10 =	simm.s32 $0x7800  }
0x7c: {  	[tilespmem:s10], [sflag:$0x4] =	stream.indirect_vreg.gather [hbm4b:s3+s2], $0x80, v4, vm0, $0xb8;
	[tilespmem:$0x10800] =	vst v63  }
0x7d: {  	s5 =	simm.s32 $0xC0;
	s11 =	simm.s32 $0x8000;
	s7 =	simm.s32 $0x0  }
0x7e: {  	[tilespmem:s11], [sflag:$0x4] =	stream.indirect_vreg.gather [hbm4b:s3+s2], $0x80, v3, vm0, $0xb8;
	[tilespmem:$0x10800] =	vst v63  }
.LBB2_4:
0x7f: {  	_ =	swait.ge [sflag:s31], $0x2000  }
0x80: {  	[sflag:s31] =	ssyncset.done $0x0  }
0x81: {  	[sflag:s31] =	ssyncadd.s32 $0xFFFFE000  }
0x82: {  	_ =	swait.ge [sflag:s0], $0x2000  }
0x83: {  	[sflag:s0] =	ssyncset.done $0x0  }
0x84: {  	[sflag:s0] =	ssyncadd.s32 $0xFFFFE000  }
0x85: {  	_ =	swait.ge [sflag:s4], $0x2000  }
0x86: {  	[sflag:s4] =	ssyncset.done $0x0  }
0x87: {  	[sflag:s4] =	ssyncadd.s32 $0xFFFFE000  }
.LBB2_5:
0x88: {  	s11 =	sadd.s32 $0x1000, s10;
	s7 =	sadd.s32 $0x2000, s7  }
0x89: {  	[hbm4b:s11+s2] =	stream.linear.scatter [tilespmem:s29], [sflag:$0xD], $0x2000, $0x38;
	[tilespmem:$0x10800] =	vst v63  }
0x8a: {  	s11 =	sadd.s32 $0x1400, s10;
	p0 =	sne.s32 s7, $0x10000  }
0x8b: {  	[hbm4b:s11+s2] =	stream.linear.scatter [tilespmem:s1], [sflag:$0xE], $0x2000, $0x38;
	[tilespmem:$0x10800] =	vst v63  }
.Ltmp3:
0x8c: {  	_ = 	snop;
	(pc) =	sbr.rel @!p0 .LBB2_6-.Ltmp3, $4  }
0x8d: {  	s11 =	sadd.s32 $0x1800, s10  }
0x8e: {  	[hbm4b:s11+s2] =	stream.linear.scatter [tilespmem:s9], [sflag:$0xF], $0x2000, $0x38;
	[tilespmem:$0x10800] =	vst v63  }
0x8f: {  	s5 =	sadd.s32 $0x100, s5;
	s11 =	sadd.s32 $0x1C00, s10  }
0x90: {  	[hbm4b:s11+s2] =	stream.linear.scatter [tilespmem:s14], [sflag:$0x10], $0x2000, $0x38;
	[tilespmem:$0x10800] =	vst v63  }
.LBB2_2:
0x91: {  	_ =	swait.ge [sflag:s24], $0x2000  }
0x92: {  	[sflag:s24] =	ssyncset.done $0x0  }
0x93: {  	[sflag:s24] =	ssyncadd.s32 $0xFFFFE000  }
0x94: {  	_ =	swait.ge [sflag:s25], $0x2000  }
0x95: {  	[sflag:s25] =	ssyncset.done $0x0  }
0x96: {  	[sflag:s25] =	ssyncadd.s32 $0xFFFFE000  }
0x97: {  	_ =	swait.ge [sflag:s26], $0x2000  }
0x98: {  	[sflag:s26] =	ssyncset.done $0x0  }
0x99: {  	[sflag:s26] =	ssyncadd.s32 $0xFFFFE000  }
0x9a: {  	_ =	swait.ge [sflag:s28], $0x2000  }
0x9b: {  	p0 =	seq.s32 s7, $0x0;
	[sflag:s28] =	ssyncset.done $0x0  }
0x9c: {  	s10 =	simm.s32 @!p0 $0xD;
	[sflag:s28] =	ssyncadd.s32 $0xFFFFE000  }
0x9d: {  	_ =	swait.ge @!p0 [sflag:s10], $0x2000  }
0x9e: {  	[sflag:s10] =	ssyncset.done @!p0 $0x0  }
0x9f: {  	[sflag:s10] =	ssyncadd.s32 @!p0 $0xFFFFE000  }
0xa0: {  	v3 =	vld [tilespmem:s5+$0xFFFFFFC0];
	_ =	sdelay $0x4  }
0xa1: {  	v4 =	vshll.u32 v3, $0x1  }
0xa2: {  	v3 =	vand.u32 $0x7, v3;
	v4 =	vand.u32 $0xFFFFFFF0, v4  }
0xa3: {  	v3 =	vor.u32 v3, v4  }
0xa4: {  	v4 =	vperm.xlane v3, v0;
	_ =	sdelay $0x1  }
0xa5: {  	v3 =	vperm.xlane v3, v2;
	v4 =	vadd.s32 v1, v4;
	_ =	sdelay $0x1  }
0xa6: {  	v3 =	vadd.s32 v1, v3;
	_ =	sdelay $0x2  }
0xa7: {  	[tilespmem:s29], [sflag:$0x5] =	stream.indirect_vreg.gather [hbm4b:s3+s2], $0x80, v4, vm0, $0xb8;
	[tilespmem:$0x10800] =	vst v63  }
0xa8: {  	s11 =	simm.s32 $0x9000  }
0xa9: {  	[tilespmem:s11], [sflag:$0x5] =	stream.indirect_vreg.gather [hbm4b:s3+s2], $0x80, v3, vm0, $0xb8;
	[tilespmem:$0x10800] =	vst v63  }
0xaa: {  	v3 =	vld [tilespmem:s5+$0xFFFFFFD0];
	_ =	sdelay $0x4  }
0xab: {  	v57 =	vshll.u32 v3, $0x1  }
0xac: {  	v3 =	vand.u32 $0x7, v3;
	v4 =	vand.u32 $0xFFFFFFF0, v57  }
0xad: {  	v3 =	vor.u32 v3, v4  }
0xae: {  	v4 =	vperm.xlane v3, v0;
	_ =	sdelay $0x1  }
0xaf: {  	v3 =	vperm.xlane v3, v2;
	v4 =	vadd.s32 v1, v4;
	_ =	sdelay $0x1  }
0xb0: {  	v3 =	vadd.s32 v1, v3;
	_ =	sdelay $0x1  }
0xb1: {  	s11 =	simm.s32 $0x9800  }
0xb2: {  	[tilespmem:s11], [sflag:$0x5] =	stream.indirect_vreg.gather [hbm4b:s3+s2], $0x80, v4, vm0, $0xb8;
	[tilespmem:$0x10800] =	vst v63  }
0xb3: {  	s10 =	simm.s32 @!p0 $0xE;
	s11 =	simm.s32 $0xA000  }
0xb4: {  	[tilespmem:s11], [sflag:$0x5] =	stream.indirect_vreg.gather [hbm4b:s3+s2], $0x80, v3, vm0, $0xb8;
	[tilespmem:$0x10800] =	vst v63  }
0xb5: {  	_ =	swait.ge @!p0 [sflag:s10], $0x2000  }
0xb6: {  	[sflag:s10] =	ssyncset.done @!p0 $0x0  }
0xb7: {  	[sflag:s10] =	ssyncadd.s32 @!p0 $0xFFFFE000  }
0xb8: {  	v3 =	vld [tilespmem:s5+$0xFFFFFFE0];
	_ =	sdelay $0x4  }
0xb9: {  	v58 =	vshll.u32 v3, $0x1  }
0xba: {  	v3 =	vand.u32 $0x7, v3;
	v4 =	vand.u32 $0xFFFFFFF0, v58  }
0xbb: {  	v3 =	vor.u32 v3, v4  }
0xbc: {  	v4 =	vperm.xlane v3, v0;
	_ =	sdelay $0x1  }
0xbd: {  	v3 =	vperm.xlane v3, v2;
	v4 =	vadd.s32 v1, v4;
	_ =	sdelay $0x1  }
0xbe: {  	v3 =	vadd.s32 v1, v3;
	_ =	sdelay $0x2  }
0xbf: {  	[tilespmem:s1], [sflag:$0x6] =	stream.indirect_vreg.gather [hbm4b:s3+s2], $0x80, v4, vm0, $0xb8;
	[tilespmem:$0x10800] =	vst v63  }
0xc0: {  	s11 =	simm.s32 $0xB000  }
0xc1: {  	[tilespmem:s11], [sflag:$0x6] =	stream.indirect_vreg.gather [hbm4b:s3+s2], $0x80, v3, vm0, $0xb8;
	[tilespmem:$0x10800] =	vst v63  }
0xc2: {  	v3 =	vld [tilespmem:s5+$0xFFFFFFF0];
	_ =	sdelay $0x4  }
0xc3: {  	v59 =	vshll.u32 v3, $0x1  }
0xc4: {  	v3 =	vand.u32 $0x7, v3;
	v4 =	vand.u32 $0xFFFFFFF0, v59  }
0xc5: {  	v3 =	vor.u32 v3, v4  }
0xc6: {  	v4 =	vperm.xlane v3, v0;
	_ =	sdelay $0x1  }
0xc7: {  	v3 =	vperm.xlane v3, v2;
	v4 =	vadd.s32 v1, v4;
	_ =	sdelay $0x1  }
0xc8: {  	v3 =	vadd.s32 v1, v3;
	_ =	sdelay $0x1  }
0xc9: {  	s11 =	simm.s32 $0xB800  }
0xca: {  	[tilespmem:s11], [sflag:$0x6] =	stream.indirect_vreg.gather [hbm4b:s3+s2], $0x80, v4, vm0, $0xb8;
	[tilespmem:$0x10800] =	vst v63  }
0xcb: {  	s10 =	simm.s32 @!p0 $0xF;
	s11 =	simm.s32 $0xC000  }
0xcc: {  	[tilespmem:s11], [sflag:$0x6] =	stream.indirect_vreg.gather [hbm4b:s3+s2], $0x80, v3, vm0, $0xb8;
	[tilespmem:$0x10800] =	vst v63  }
0xcd: {  	_ =	swait.ge @!p0 [sflag:s10], $0x2000  }
0xce: {  	[sflag:s10] =	ssyncset.done @!p0 $0x0  }
0xcf: {  	[sflag:s10] =	ssyncadd.s32 @!p0 $0xFFFFE000  }
0xd0: {  	v3 =	vld [tilespmem:s5+$0x0];
	_ =	sdelay $0x4  }
0xd1: {  	v60 =	vshll.u32 v3, $0x1  }
0xd2: {  	v3 =	vand.u32 $0x7, v3;
	v4 =	vand.u32 $0xFFFFFFF0, v60  }
0xd3: {  	v3 =	vor.u32 v3, v4  }
0xd4: {  	v4 =	vperm.xlane v3, v0;
	_ =	sdelay $0x1  }
0xd5: {  	v3 =	vperm.xlane v3, v2;
	v4 =	vadd.s32 v1, v4;
	_ =	sdelay $0x1  }
0xd6: {  	v3 =	vadd.s32 v1, v3;
	_ =	sdelay $0x2  }
0xd7: {  	[tilespmem:s9], [sflag:$0x7] =	stream.indirect_vreg.gather [hbm4b:s3+s2], $0x80, v4, vm0, $0xb8;
	[tilespmem:$0x10800] =	vst v63  }
0xd8: {  	s11 =	simm.s32 $0xD000  }
0xd9: {  	[tilespmem:s11], [sflag:$0x7] =	stream.indirect_vreg.gather [hbm4b:s3+s2], $0x80, v3, vm0, $0xb8;
	[tilespmem:$0x10800] =	vst v63  }
0xda: {  	v3 =	vld [tilespmem:s5+$0x10];
	_ =	sdelay $0x4  }
0xdb: {  	v61 =	vshll.u32 v3, $0x1  }
0xdc: {  	v3 =	vand.u32 $0x7, v3;
	v4 =	vand.u32 $0xFFFFFFF0, v61  }
0xdd: {  	v3 =	vor.u32 v3, v4  }
0xde: {  	v4 =	vperm.xlane v3, v0;
	_ =	sdelay $0x1  }
0xdf: {  	v3 =	vperm.xlane v3, v2;
	v4 =	vadd.s32 v1, v4;
	_ =	sdelay $0x1  }
0xe0: {  	v3 =	vadd.s32 v1, v3;
	_ =	sdelay $0x1  }
0xe1: {  	s11 =	simm.s32 $0xD800  }
0xe2: {  	[tilespmem:s11], [sflag:$0x7] =	stream.indirect_vreg.gather [hbm4b:s3+s2], $0x80, v4, vm0, $0xb8;
	[tilespmem:$0x10800] =	vst v63  }
0xe3: {  	s10 =	simm.s32 @!p0 $0x10  }
0xe4: {  	[tilespmem:s13], [sflag:$0x7] =	stream.indirect_vreg.gather [hbm4b:s3+s2], $0x80, v3, vm0, $0xb8;
	[tilespmem:$0x10800] =	vst v63  }
0xe5: {  	_ =	swait.ge @!p0 [sflag:s10], $0x2000  }
0xe6: {  	[sflag:s10] =	ssyncset.done @!p0 $0x0  }
0xe7: {  	[sflag:s10] =	ssyncadd.s32 @!p0 $0xFFFFE000  }
0xe8: {  	v3 =	vld [tilespmem:s5+$0x20];
	_ =	sdelay $0x4  }
0xe9: {  	v62 =	vshll.u32 v3, $0x1  }
0xea: {  	v3 =	vand.u32 $0x7, v3;
	v4 =	vand.u32 $0xFFFFFFF0, v62  }
0xeb: {  	v3 =	vor.u32 v3, v4  }
0xec: {  	v4 =	vperm.xlane v3, v0;
	_ =	sdelay $0x1  }
0xed: {  	v3 =	vperm.xlane v3, v2;
	v4 =	vadd.s32 v1, v4;
	_ =	sdelay $0x1  }
0xee: {  	v3 =	vadd.s32 v1, v3;
	_ =	sdelay $0x2  }
0xef: {  	[tilespmem:s14], [sflag:$0x8] =	stream.indirect_vreg.gather [hbm4b:s3+s2], $0x80, v4, vm0, $0xb8;
	[tilespmem:$0x10800] =	vst v63  }
0xf0: {  	_ = 	snop  }
0xf1: {  	[tilespmem:s15], [sflag:$0x8] =	stream.indirect_vreg.gather [hbm4b:s3+s2], $0x80, v3, vm0, $0xb8;
	[tilespmem:$0x10800] =	vst v63  }
0xf2: {  	v3 =	vld [tilespmem:s5+$0x30];
	_ =	sdelay $0x4  }
0xf3: {  	v63 =	vshll.u32 v3, $0x1  }
0xf4: {  	v3 =	vand.u32 $0x7, v3;
	v4 =	vand.u32 $0xFFFFFFF0, v63  }
0xf5: {  	v3 =	vor.u32 v3, v4  }
0xf6: {  	v4 =	vperm.xlane v3, v0;
	_ =	sdelay $0x1  }
0xf7: {  	v3 =	vperm.xlane v3, v2;
	v4 =	vadd.s32 v1, v4;
	_ =	sdelay $0x1  }
0xf8: {  	v3 =	vadd.s32 v1, v3;
	_ =	sdelay $0x2  }
0xf9: {  	[tilespmem:s17], [sflag:$0x8] =	stream.indirect_vreg.gather [hbm4b:s3+s2], $0x80, v4, vm0, $0xb8;
	[tilespmem:$0x10800] =	vst v63  }
0xfa: {  	_ = 	snop  }
0xfb: {  	[tilespmem:s18], [sflag:$0x8] =	stream.indirect_vreg.gather [hbm4b:s3+s2], $0x80, v3, vm0, $0xb8;
	[tilespmem:$0x10800] =	vst v63  }
0xfc: {  	s10 =	sadd.s32 s7, s6  }
0xfd: {  	[hbm4b:s10+s2] =	stream.linear.scatter [tilespmem:s8], [sflag:$0x9], $0x2000, $0x38;
	[tilespmem:$0x10800] =	vst v63  }
0xfe: {  	s11 =	sadd.s32 $0x400, s10  }
0xff: {  	[hbm4b:s11+s2] =	stream.linear.scatter [tilespmem:s12], [sflag:$0xA], $0x2000, $0x38;
	[tilespmem:$0x10800] =	vst v63  }
0x100: {  	s11 =	sadd.s32 $0x800, s10  }
0x101: {  	[hbm4b:s11+s2] =	stream.linear.scatter [tilespmem:s16], [sflag:$0xB], $0x2000, $0x38;
	[tilespmem:$0x10800] =	vst v63  }
0x102: {  	s11 =	sadd.s32 $0xC00, s10  }
0x103: {  	[hbm4b:s11+s2] =	stream.linear.scatter [tilespmem:s20], [sflag:$0xC], $0x2000, $0x38;
	[tilespmem:$0x10800] =	vst v63  }
0x104: {  	_ =	swait.ge [sflag:s19], $0x2000  }
0x105: {  	[sflag:s19] =	ssyncset.done $0x0  }
0x106: {  	[sflag:s19] =	ssyncadd.s32 $0xFFFFE000  }
0x107: {  	_ =	swait.ge [sflag:s21], $0x2000  }
0x108: {  	[sflag:s21] =	ssyncset.done $0x0  }
0x109: {  	[sflag:s21] =	ssyncadd.s32 $0xFFFFE000  }
0x10a: {  	_ =	swait.ge [sflag:s22], $0x2000  }
0x10b: {  	[sflag:s22] =	ssyncset.done $0x0  }
0x10c: {  	[sflag:s22] =	ssyncadd.s32 $0xFFFFE000  }
0x10d: {  	p0 =	seq.s32 s7, $0xE000;
	_ =	swait.ge [sflag:s23], $0x2000  }
.Ltmp4:
0x10e: {  	[sflag:s23] =	ssyncset.done $0x0;
	(pc) =	sbr.rel @p0 .LBB2_4-.Ltmp4, $4  }
0x10f: {  	[sflag:s23] =	ssyncadd.s32 $0xFFFFE000  }
0x110: {  	_ =	swait.ge [sflag:s30], $0x2000  }
0x111: {  	[sflag:s30] =	ssyncset.done $0x0  }
0x112: {  	[sflag:s30] =	ssyncadd.s32 $0xFFFFE000  }
0x113: {  	v3 =	vld [tilespmem:s5+$0x40];
	_ =	sdelay $0x4  }
0x114: {  	v4 =	vshll.u32 v3, $0x1  }
0x115: {  	v3 =	vand.u32 $0x7, v3;
	v4 =	vand.u32 $0xFFFFFFF0, v4  }
0x116: {  	v3 =	vor.u32 v3, v4  }
0x117: {  	v4 =	vperm.xlane v3, v0;
	_ =	sdelay $0x1  }
0x118: {  	v3 =	vperm.xlane v3, v2;
	v4 =	vadd.s32 v1, v4;
	_ =	sdelay $0x1  }
0x119: {  	v3 =	vadd.s32 v1, v3;
	_ =	sdelay $0x2  }
0x11a: {  	[tilespmem:s8], [sflag:$0x1] =	stream.indirect_vreg.gather [hbm4b:s3+s2], $0x80, v4, vm0, $0xb8;
	[tilespmem:$0x10800] =	vst v63  }
0x11b: {  	s11 =	simm.s32 $0x1000  }
0x11c: {  	[tilespmem:s11], [sflag:$0x1] =	stream.indirect_vreg.gather [hbm4b:s3+s2], $0x80, v3, vm0, $0xb8;
	[tilespmem:$0x10800] =	vst v63  }
0x11d: {  	v3 =	vld [tilespmem:s5+$0x50];
	_ =	sdelay $0x4  }
0x11e: {  	v57 =	vshll.u32 v3, $0x1  }
0x11f: {  	v3 =	vand.u32 $0x7, v3;
	v4 =	vand.u32 $0xFFFFFFF0, v57  }
0x120: {  	v3 =	vor.u32 v3, v4  }
0x121: {  	v4 =	vperm.xlane v3, v0;
	_ =	sdelay $0x1  }
0x122: {  	v3 =	vperm.xlane v3, v2;
	v4 =	vadd.s32 v1, v4;
	_ =	sdelay $0x1  }
0x123: {  	v3 =	vadd.s32 v1, v3;
	_ =	sdelay $0x1  }
0x124: {  	s11 =	simm.s32 $0x1800  }
0x125: {  	[tilespmem:s11], [sflag:$0x1] =	stream.indirect_vreg.gather [hbm4b:s3+s2], $0x80, v4, vm0, $0xb8;
	[tilespmem:$0x10800] =	vst v63  }
0x126: {  	s11 =	simm.s32 $0x2000  }
0x127: {  	[tilespmem:s11], [sflag:$0x1] =	stream.indirect_vreg.gather [hbm4b:s3+s2], $0x80, v3, vm0, $0xb8;
	[tilespmem:$0x10800] =	vst v63  }
0x128: {  	_ =	swait.ge [sflag:s31], $0x2000  }
0x129: {  	[sflag:s31] =	ssyncset.done $0x0  }
0x12a: {  	[sflag:s31] =	ssyncadd.s32 $0xFFFFE000  }
0x12b: {  	v3 =	vld [tilespmem:s5+$0x60];
	_ =	sdelay $0x4  }
0x12c: {  	v58 =	vshll.u32 v3, $0x1  }
0x12d: {  	v3 =	vand.u32 $0x7, v3;
	v4 =	vand.u32 $0xFFFFFFF0, v58  }
0x12e: {  	v3 =	vor.u32 v3, v4  }
0x12f: {  	v4 =	vperm.xlane v3, v0;
	_ =	sdelay $0x1  }
0x130: {  	v3 =	vperm.xlane v3, v2;
	v4 =	vadd.s32 v1, v4;
	_ =	sdelay $0x1  }
0x131: {  	v3 =	vadd.s32 v1, v3;
	_ =	sdelay $0x2  }
0x132: {  	[tilespmem:s12], [sflag:$0x2] =	stream.indirect_vreg.gather [hbm4b:s3+s2], $0x80, v4, vm0, $0xb8;
	[tilespmem:$0x10800] =	vst v63  }
0x133: {  	s11 =	simm.s32 $0x3000  }
0x134: {  	[tilespmem:s11], [sflag:$0x2] =	stream.indirect_vreg.gather [hbm4b:s3+s2], $0x80, v3, vm0, $0xb8;
	[tilespmem:$0x10800] =	vst v63  }
0x135: {  	v3 =	vld [tilespmem:s5+$0x70];
	_ =	sdelay $0x4  }
0x136: {  	v59 =	vshll.u32 v3, $0x1  }
0x137: {  	v3 =	vand.u32 $0x7, v3;
	v4 =	vand.u32 $0xFFFFFFF0, v59  }
0x138: {  	v3 =	vor.u32 v3, v4  }
0x139: {  	v4 =	vperm.xlane v3, v0;
	_ =	sdelay $0x1  }
0x13a: {  	v3 =	vperm.xlane v3, v2;
	v4 =	vadd.s32 v1, v4;
	_ =	sdelay $0x1  }
0x13b: {  	v3 =	vadd.s32 v1, v3;
	_ =	sdelay $0x1  }
0x13c: {  	s11 =	simm.s32 $0x3800  }
0x13d: {  	[tilespmem:s11], [sflag:$0x2] =	stream.indirect_vreg.gather [hbm4b:s3+s2], $0x80, v4, vm0, $0xb8;
	[tilespmem:$0x10800] =	vst v63  }
0x13e: {  	s11 =	simm.s32 $0x4000  }
0x13f: {  	[tilespmem:s11], [sflag:$0x2] =	stream.indirect_vreg.gather [hbm4b:s3+s2], $0x80, v3, vm0, $0xb8;
	[tilespmem:$0x10800] =	vst v63  }
0x140: {  	_ =	swait.ge [sflag:s0], $0x2000  }
0x141: {  	[sflag:s0] =	ssyncset.done $0x0  }
0x142: {  	[sflag:s0] =	ssyncadd.s32 $0xFFFFE000  }
0x143: {  	v3 =	vld [tilespmem:s5+$0x80];
	_ =	sdelay $0x4  }
0x144: {  	v60 =	vshll.u32 v3, $0x1  }
0x145: {  	v3 =	vand.u32 $0x7, v3;
	v4 =	vand.u32 $0xFFFFFFF0, v60  }
0x146: {  	v3 =	vor.u32 v3, v4  }
0x147: {  	v4 =	vperm.xlane v3, v0;
	_ =	sdelay $0x1  }
0x148: {  	v3 =	vperm.xlane v3, v2;
	v4 =	vadd.s32 v1, v4;
	_ =	sdelay $0x1  }
0x149: {  	v3 =	vadd.s32 v1, v3;
	_ =	sdelay $0x2  }
0x14a: {  	[tilespmem:s16], [sflag:$0x3] =	stream.indirect_vreg.gather [hbm4b:s3+s2], $0x80, v4, vm0, $0xb8;
	[tilespmem:$0x10800] =	vst v63  }
0x14b: {  	s11 =	simm.s32 $0x5000  }
0x14c: {  	[tilespmem:s11], [sflag:$0x3] =	stream.indirect_vreg.gather [hbm4b:s3+s2], $0x80, v3, vm0, $0xb8;
	[tilespmem:$0x10800] =	vst v63  }
0x14d: {  	v3 =	vld [tilespmem:s5+$0x90];
	_ =	sdelay $0x4  }
0x14e: {  	v61 =	vshll.u32 v3, $0x1  }
0x14f: {  	v3 =	vand.u32 $0x7, v3;
	v4 =	vand.u32 $0xFFFFFFF0, v61  }
0x150: {  	v3 =	vor.u32 v3, v4  }
0x151: {  	v4 =	vperm.xlane v3, v0;
	_ =	sdelay $0x1  }
0x152: {  	v3 =	vperm.xlane v3, v2;
	v4 =	vadd.s32 v1, v4;
	_ =	sdelay $0x1  }
0x153: {  	v3 =	vadd.s32 v1, v3;
	_ =	sdelay $0x1  }
0x154: {  	s11 =	simm.s32 $0x5800  }
0x155: {  	[tilespmem:s11], [sflag:$0x3] =	stream.indirect_vreg.gather [hbm4b:s3+s2], $0x80, v4, vm0, $0xb8;
	[tilespmem:$0x10800] =	vst v63  }
0x156: {  	s11 =	simm.s32 $0x6000  }
0x157: {  	[tilespmem:s11], [sflag:$0x3] =	stream.indirect_vreg.gather [hbm4b:s3+s2], $0x80, v3, vm0, $0xb8;
	[tilespmem:$0x10800] =	vst v63  }
0x158: {  	_ =	swait.ge [sflag:s4], $0x2000  }
0x159: {  	[sflag:s4] =	ssyncset.done $0x0  }
0x15a: {  	[sflag:s4] =	ssyncadd.s32 $0xFFFFE000  }
0x15b: {  	v3 =	vld [tilespmem:s5+$0xA0];
	_ =	sdelay $0x4  }
0x15c: {  	v62 =	vshll.u32 v3, $0x1  }
0x15d: {  	v3 =	vand.u32 $0x7, v3;
	v4 =	vand.u32 $0xFFFFFFF0, v62  }
0x15e: {  	v3 =	vor.u32 v3, v4  }
0x15f: {  	v4 =	vperm.xlane v3, v0;
	_ =	sdelay $0x1  }
0x160: {  	v3 =	vperm.xlane v3, v2;
	v4 =	vadd.s32 v1, v4;
	_ =	sdelay $0x1  }
0x161: {  	v3 =	vadd.s32 v1, v3;
	_ =	sdelay $0x2  }
0x162: {  	[tilespmem:s20], [sflag:$0x4] =	stream.indirect_vreg.gather [hbm4b:s3+s2], $0x80, v4, vm0, $0xb8;
	[tilespmem:$0x10800] =	vst v63  }
0x163: {  	s11 =	simm.s32 $0x7000  }
0x164: {  	[tilespmem:s11], [sflag:$0x4] =	stream.indirect_vreg.gather [hbm4b:s3+s2], $0x80, v3, vm0, $0xb8;
	[tilespmem:$0x10800] =	vst v63  }
0x165: {  	v3 =	vld [tilespmem:s5+$0xB0];
	_ =	sdelay $0x4  }
0x166: {  	v63 =	vshll.u32 v3, $0x1  }
0x167: {  	v3 =	vand.u32 $0x7, v3;
	v4 =	vand.u32 $0xFFFFFFF0, v63  }
0x168: {  	v3 =	vor.u32 v3, v4  }
0x169: {  	v4 =	vperm.xlane v3, v0;
	_ =	sdelay $0x1  }
0x16a: {  	v3 =	vperm.xlane v3, v2;
	v4 =	vadd.s32 v1, v4;
	_ =	sdelay $0x1  }
0x16b: {  	v3 =	vadd.s32 v1, v3  }
.Ltmp5:
0x16c: {  	_ = 	snop;
	(pc) =	sbr.rel .LBB2_5-.Ltmp5, $4  }
0x16d: {  	s11 =	simm.s32 $0x7800  }
0x16e: {  	[tilespmem:s11], [sflag:$0x4] =	stream.indirect_vreg.gather [hbm4b:s3+s2], $0x80, v4, vm0, $0xb8;
	[tilespmem:$0x10800] =	vst v63  }
0x16f: {  	s11 =	simm.s32 $0x8000  }
0x170: {  	[tilespmem:s11], [sflag:$0x4] =	stream.indirect_vreg.gather [hbm4b:s3+s2], $0x80, v3, vm0, $0xb8;
	[tilespmem:$0x10800] =	vst v63  }
.LBB2_7:
0x171: {  	_ =	sfence.sel $0x180000  }
0x172: {  	[bflag:$0x0] =	sbarrier.arrive $0xFFFF  }
0x173: {  	_ =	strace $0x90000047  }
0x174: {  	s0 =	stileid.u32;
	[bflag:$0x2] =	sbarrier.arrive $0xFFFF  }
0x175: {  	p0 =	sne.s32 s0, $0x0;
	s0 =	rddreg [dreg:$0x1]  }
0x176: {  	s0 =	sadd.s32 @!p0 $0x100000, s0  }
0x177: {  	[sflag:s0] =	ssyncadd.tile.s32 @!p0 $0x1;
	_ =	shalt  }
.Lfunc_end2:
_tile_overlayer_lowered:
.L_overlay_start_2:
0x178: {  	(tag) =	ssettag $0x2  }
0x179: {  	s0 =	rddreg [dreg:$0x0];
	s2 =	stileid.u32  }
0x17a: {  	s1 =	rddreg [dreg:$0x1];
	p0 =	sne.s32 s2, $0x0  }
0x17b: {  	s3 =	rddreg [dreg:$0x2];
	[bflag:$0x3] =	sbarrier.arrive $0xFFFF;
	s2 =	simm.s32 @!p0 $0x1C11  }
0x17c: {  	[timem:s3], [sflag:s2] =	dma.local @!p0 [hbm:s0], s1  }
0x17d: {  	s0 =	simm.s32 @!p0 $0x11  }
0x17e: {  	_ =	swait.ge @!p0 [sflag:s0], s1  }
0x17f: {  	s1 =	ssub.s32 @!p0 $0x0, s1;
	[sflag:s0] =	ssyncset.done @!p0 $0x0  }
0x180: {  	[sflag:s0] =	ssyncadd.s32 @!p0 s1  }
0x181: {  	[bflag:$0x3] =	sbarrier.arrive $0xFFFF  }
0x182: {  	_ =	shalt  }

</sc_bundles>
